<compile_context>
chip_gen: v7x
topology: tpu7x:2x2x1
jax: 0.10.2.dev20260603
libtpu: 0.0.44.dev20260713+nightly
codegen_flags: <defaults>
</compile_context>

<pallas_src>
import functools

import jax
import jax.numpy as jnp
from jax import lax
from jax.experimental import pallas as pl
from jax.experimental.pallas import tpu as pltpu
from jax.experimental.pallas import tpu_sc as plsc

_NC = 2
_NS = 16
_K = 128
_TRASH = 256


def _make_sc_agg(n_nodes, e_pad, dh, edge_split, dtype=jnp.float32):
    n_workers = _NC * _NS if edge_split else _NS
    assert e_pad % (n_workers * 2 * _K) == 0
    trash = _TRASH
    e_w = e_pad // n_workers
    nch = e_w // _K
    rows_tile = -(-(n_nodes // _NS) // 8) * 8
    rows_last = n_nodes - (_NS - 1) * rows_tile
    assert 0 < rows_last <= rows_tile
    assert dh * jnp.dtype(dtype).itemsize % 64 == 0

    mesh = plsc.VectorSubcoreMesh(
        core_axis_name="c", subcore_axis_name="s",
        num_cores=_NC, num_subcores=_NS)

    assert nch % 2 == 0
    scratch = [
        pltpu.VMEM((_K,), jnp.int32), pltpu.VMEM((_K,), jnp.int32),
        pltpu.VMEM((_K,), jnp.int32), pltpu.VMEM((_K,), jnp.int32),
        pltpu.VMEM((_K, dh), dtype), pltpu.VMEM((_K, dh), dtype),
        pltpu.VMEM_SHARED((n_nodes + trash, dh), dtype),
        pltpu.SemaphoreType.DMA, pltpu.SemaphoreType.DMA,
        pltpu.SemaphoreType.DMA, pltpu.SemaphoreType.DMA,
        pltpu.SemaphoreType.DMA,
    ]

    @functools.partial(
        pl.kernel,
        out_type=jax.ShapeDtypeStruct((_NC, n_nodes, dh), dtype),
        mesh=mesh,
        scratch_types=scratch,
        compiler_params=pltpu.CompilerParams(use_tc_tiling_on_sc=False),
    )
    def agg_kernel(t_hbm, src_hbm, dst_hbm, z_hbm, out_hbm,
                   si0, si1, di0, di1, rw0, rw1, acc, sg0, sg1, ss0, ss1,
                   sz):
        c = lax.axis_index("c")
        s = lax.axis_index("s")
        if edge_split:
            tbl = t_hbm
            base = (c * _NS + s) * e_w
        else:
            tbl = t_hbm.at[c]
            base = s * e_w

        r0 = s * rows_tile

        @pl.when(s < _NS - 1)
        def _():
            pltpu.async_copy(z_hbm, acc.at[pl.ds(r0, rows_tile)], sz)

        @pl.when(s == _NS - 1)
        def _():
            pltpu.async_copy(z_hbm.at[pl.ds(0, rows_last)],
                             acc.at[pl.ds(r0, rows_last)], sz)

        slabs = ((si0, di0, rw0, sg0, ss0), (si1, di1, rw1, sg1, ss1))

        def iter_body(ii, p):
            si, di, rw, sg, ss = slabs[p]
            qsi, qdi, qrw, qsg, qss = slabs[1 - p]

            @pl.when(ii >= 2)
            def _():
                pltpu.make_async_copy(rw, acc.at[di], ss).wait()

            @pl.when(ii < nch)
            def _():
                off = base + ii * _K
                pltpu.sync_copy(src_hbm.at[pl.ds(off, _K)], si)
                pltpu.sync_copy(dst_hbm.at[pl.ds(off, _K)], di)
                pltpu.async_copy(tbl.at[si], rw, sg)

            @pl.when(ii == 1)
            def _():
                @pl.when(s < _NS - 1)
                def _():
                    pltpu.make_async_copy(
                        z_hbm, acc.at[pl.ds(r0, rows_tile)], sz).wait()

                @pl.when(s == _NS - 1)
                def _():
                    pltpu.make_async_copy(
                        z_hbm.at[pl.ds(0, rows_last)],
                        acc.at[pl.ds(r0, rows_last)], sz).wait()

                plsc.subcore_barrier()

            @pl.when((ii >= 1) & (ii <= nch))
            def _():
                pltpu.make_async_copy(tbl.at[qsi], qrw, qsg).wait()
                pltpu.async_copy(qrw, acc.at[qdi], qss, add=True)

        @pl.loop(0, nch + 2, step=2)
        def _(ii):
            iter_body(ii, 0)
            iter_body(ii + 1, 1)

        plsc.subcore_barrier()

        @pl.when(s < _NS - 1)
        def _():
            pltpu.sync_copy(acc.at[pl.ds(r0, rows_tile)],
                            out_hbm.at[c, pl.ds(r0, rows_tile)])

        @pl.when(s == _NS - 1)
        def _():
            pltpu.sync_copy(acc.at[pl.ds(r0, rows_last)],
                            out_hbm.at[c, pl.ds(r0, rows_last)])

    return agg_kernel


_BM = 2000


def _dot(a, b):
    return jnp.dot(a, b, preferred_element_type=jnp.float32)


def _layer1_tc(x, agg1, W1s, W1np, b1r, n_nodes, dh_in):
    grid = n_nodes // _BM

    def body(x_ref, a_ref, ws_ref, wn_ref, b_ref, h_ref, hb_ref, rdeg_ref):
        asum = (a_ref[0].astype(jnp.float32)
                + a_ref[1].astype(jnp.float32))
        deg = asum[:, 128:129]
        r = 1.0 / jnp.maximum(deg, 1.0)
        neigh = _dot(asum, wn_ref[...]) * r
        h = jax.nn.relu(_dot(x_ref[...], ws_ref[...]) + neigh + b_ref[...])
        h_ref[0] = h[:, :128]
        h_ref[1] = h[:, 128:]
        hb_ref[...] = h.astype(jnp.bfloat16)
        rdeg_ref[...] = r

    return pl.pallas_call(
        body,
        grid=(grid,),
        in_specs=[
            pl.BlockSpec((_BM, dh_in), lambda m: (m, 0)),
            pl.BlockSpec((2, _BM, 160), lambda m: (0, m, 0)),
            pl.BlockSpec((dh_in, 256), lambda m: (0, 0)),
            pl.BlockSpec((160, 256), lambda m: (0, 0)),
            pl.BlockSpec((1, 256), lambda m: (0, 0)),
        ],
        out_specs=[
            pl.BlockSpec((2, _BM, 128), lambda m: (0, m, 0)),
            pl.BlockSpec((_BM, 256), lambda m: (m, 0)),
            pl.BlockSpec((_BM, 1), lambda m: (m, 0)),
        ],
        out_shape=[
            jax.ShapeDtypeStruct((2, n_nodes, 128), jnp.float32),
            jax.ShapeDtypeStruct((n_nodes, 256), jnp.bfloat16),
            jax.ShapeDtypeStruct((n_nodes, 1), jnp.float32),
        ],
    )(x, agg1, W1s, W1np, b1r)


def _layer2_tc(h1s, agg2, rdeg, W2sa, W2sb, W2n, b2r, W3np, n_nodes):
    grid = n_nodes // _BM

    def body(h_ref, a_ref, r_ref, wsa, wsb, wn, b_ref, w3n, h2_ref, t3_ref):
        r = r_ref[...]
        asum = (a_ref[0].astype(jnp.float32)
                + a_ref[1].astype(jnp.float32))
        neigh = _dot(asum, wn[...]) * r
        h2 = jax.nn.relu(_dot(h_ref[0], wsa[...]) + _dot(h_ref[1], wsb[...])
                         + neigh + b_ref[...])
        t3_ref[...] = _dot(h2, w3n[...])
        h2_ref[0] = h2[:, :128]
        h2_ref[1] = h2[:, 128:]

    return pl.pallas_call(
        body,
        grid=(grid,),
        in_specs=[
            pl.BlockSpec((2, _BM, 128), lambda m: (0, m, 0)),
            pl.BlockSpec((2, _BM, 256), lambda m: (0, m, 0)),
            pl.BlockSpec((_BM, 1), lambda m: (m, 0)),
            pl.BlockSpec((128, 256), lambda m: (0, 0)),
            pl.BlockSpec((128, 256), lambda m: (0, 0)),
            pl.BlockSpec((256, 256), lambda m: (0, 0)),
            pl.BlockSpec((1, 256), lambda m: (0, 0)),
            pl.BlockSpec((256, 48), lambda m: (0, 0)),
        ],
        out_specs=[
            pl.BlockSpec((2, _BM, 128), lambda m: (0, m, 0)),
            pl.BlockSpec((_BM, 48), lambda m: (m, 0)),
        ],
        out_shape=[
            jax.ShapeDtypeStruct((2, n_nodes, 128), jnp.float32),
            jax.ShapeDtypeStruct((n_nodes, 48), jnp.float32),
        ],
    )(h1s, agg2, rdeg, W2sa, W2sb, W2n, b2r, W3np)


def _layer3_tc(h2s, agg3, rdeg, W3sa, W3sb, b3p, n_nodes):
    grid = n_nodes // _BM

    def body(h_ref, a_ref, r_ref, wsa, wsb, b_ref, o_ref):
        neigh = (a_ref[0] + a_ref[1]) * r_ref[...]
        o_ref[...] = (_dot(h_ref[0], wsa[...]) + _dot(h_ref[1], wsb[...])
                      + neigh + b_ref[...])

    return pl.pallas_call(
        body,
        grid=(grid,),
        in_specs=[
            pl.BlockSpec((2, _BM, 128), lambda m: (0, m, 0)),
            pl.BlockSpec((2, _BM, 48), lambda m: (0, m, 0)),
            pl.BlockSpec((_BM, 1), lambda m: (m, 0)),
            pl.BlockSpec((128, 48), lambda m: (0, 0)),
            pl.BlockSpec((128, 48), lambda m: (0, 0)),
            pl.BlockSpec((1, 48), lambda m: (0, 0)),
        ],
        out_specs=pl.BlockSpec((_BM, 48), lambda m: (m, 0)),
        out_shape=jax.ShapeDtypeStruct((n_nodes, 48), jnp.float32),
    )(h2s, agg3, rdeg, W3sa, W3sb, b3p)


def kernel(x, edge_index, W1_self, W1_neigh, b1, W2_self, W2_neigh, b2,
           W3_self, W3_neigh, b3):
    n_nodes, d_in = x.shape
    n_edges = edge_index.shape[1]
    d_out = W3_self.shape[1]

    unit = _NC * _NS * 2 * _K
    e_pad = -(-n_edges // unit) * unit
    npad = e_pad - n_edges
    pad_ar = jnp.arange(npad, dtype=jnp.int32)
    src = jnp.concatenate([edge_index[0], pad_ar % n_nodes])
    dst = jnp.concatenate([edge_index[1], n_nodes + pad_ar % _TRASH])

    ones = jnp.ones((n_nodes, 1), jnp.float32)
    zpad = jnp.zeros((n_nodes, 31), jnp.float32)
    xaug = jnp.concatenate([x, ones, zpad], axis=1
                           ).astype(jnp.bfloat16)

    rt = -(-(n_nodes // _NS) // 8) * 8
    z160 = jnp.zeros((rt, 160), jnp.bfloat16)
    z256 = jnp.zeros((rt, 256), jnp.bfloat16)
    z48 = jnp.zeros((rt, 48), jnp.float32)

    W1np = jnp.concatenate([W1_neigh, jnp.zeros((32, 256), jnp.float32)],
                           axis=0)
    b1r = b1.reshape(1, -1)
    W2sa, W2sb = W2_self[:128], W2_self[128:]
    b2r = b2.reshape(1, -1)
    cpad = jnp.zeros((256, 48 - d_out), jnp.float32)
    W3np = jnp.concatenate([W3_neigh, cpad], axis=1)
    W3sp = jnp.concatenate([W3_self, cpad], axis=1)
    W3sa, W3sb = W3sp[:128], W3sp[128:]
    b3p = jnp.concatenate([b3, jnp.zeros((48 - d_out,), jnp.float32)]
                          ).reshape(1, -1)

    agg1 = _make_sc_agg(n_nodes, e_pad, 160, True, jnp.bfloat16)(
        xaug, src, dst, z160)
    h1s, h1b, rdeg = _layer1_tc(x, agg1, W1_self, W1np, b1r, n_nodes, d_in)
    agg2 = _make_sc_agg(n_nodes, e_pad, 256, True, jnp.bfloat16)(
        h1b, src, dst, z256)
    h2s, t3 = _layer2_tc(h1s, agg2, rdeg, W2sa, W2sb, W2_neigh, b2r,
                         W3np, n_nodes)
    agg3 = _make_sc_agg(n_nodes, e_pad, 48, True)(t3, src, dst, z48)
    outp = _layer3_tc(h2s, agg3, rdeg, W3sa, W3sb, b3p, n_nodes)
    return outp[:, :d_out]

# --- scband reference (transcript-rebuilt; emitter-appended) ---
"""Pipeline reference for scband-sage-82291573392195 (READ-ONLY COPY).

The authoritative reference and input builder live on the scoring server;
editing this copy changes nothing except your own understanding.
"""

import jax, jax.numpy as jnp
import numpy as np

N = 10000
E = 320000
D_IN = 128
D_H = 256
D_OUT = 47


def setup_inputs(seed: int = 0) -> dict:
    key = jax.random.key(seed)
    ks = jax.random.split(key, 12)
    x = jax.random.normal(ks[0], (N, D_IN), dtype=jnp.float32)
    edge_index = jax.random.randint(ks[1], (2, E), 0, N, dtype=jnp.int32)
    def lin(k, fan_in, fan_out):
        return jax.random.normal(k, (fan_in, fan_out), dtype=jnp.float32) / np.sqrt(fan_in)
    return {
        'x': x,
        'edge_index': edge_index,
        'W1_self': lin(ks[2], D_IN, D_H),
        'W1_neigh': lin(ks[3], D_IN, D_H),
        'b1': jnp.zeros((D_H,), dtype=jnp.float32),
        'W2_self': lin(ks[4], D_H, D_H),
        'W2_neigh': lin(ks[5], D_H, D_H),
        'b2': jnp.zeros((D_H,), dtype=jnp.float32),
        'W3_self': lin(ks[6], D_H, D_OUT),
        'W3_neigh': lin(ks[7], D_H, D_OUT),
        'b3': jnp.zeros((D_OUT,), dtype=jnp.float32),
    }


def _sage_conv(h, edge_index, W_self, W_neigh, b):
    # DGL SAGEConv with 'mean' aggregator: fc_neigh(mean of neighbor feats) + fc_self(h_dst)
    src = edge_index[0]
    dst = edge_index[1]
    msg = h[src]  # gather: [E, d]
    agg = jax.ops.segment_sum(msg, dst, num_segments=N)  # scatter-add: [N, d]
    deg = jax.ops.segment_sum(jnp.ones((edge_index.shape[1],), h.dtype), dst, num_segments=N)
    h_neigh = agg / jnp.maximum(deg, 1.0)[:, None]
    return h @ W_self + h_neigh @ W_neigh + b


def reference(x, edge_index, W1_self, W1_neigh, b1, W2_self, W2_neigh, b2, W3_self, W3_neigh, b3):
    h = _sage_conv(x, edge_index, W1_self, W1_neigh, b1)
    h = jax.nn.relu(h)  # dropout is identity in eval mode
    h = _sage_conv(h, edge_index, W2_self, W2_neigh, b2)
    h = jax.nn.relu(h)
    h = _sage_conv(h, edge_index, W3_self, W3_neigh, b3)
    return h

if __name__ == "__main__":
    import jax
    _d = setup_inputs()
    print(jax.jit(kernel)(*tuple(_d.values())))

</pallas_src>

<mosaic_0001>
#map = affine_map<(d0, d1) -> (0, 0)>
#map1 = affine_map<(d0, d1) -> (0)>
#map2 = affine_map<(d0, d1) -> (0, 0, 0)>
module attributes {stable_mosaic.version = 14 : i64} {
  func.func @agg_kernel(%arg0: i32, %arg1: i32, %arg2: memref<10000x256xbf16, #tpu.memory_space<hbm>>, %arg3: memref<327680xi32, #tpu.memory_space<hbm>>, %arg4: memref<327680xi32, #tpu.memory_space<hbm>>, %arg5: memref<632x256xbf16, #tpu.memory_space<hbm>>, %arg6: memref<2x10000x256xbf16, #tpu.memory_space<hbm>>, %arg7: memref<128xi32, #tpu.memory_space<vmem>>, %arg8: memref<128xi32, #tpu.memory_space<vmem>>, %arg9: memref<128xi32, #tpu.memory_space<vmem>>, %arg10: memref<128xi32, #tpu.memory_space<vmem>>, %arg11: memref<128x256xbf16, #tpu.memory_space<vmem>>, %arg12: memref<128x256xbf16, #tpu.memory_space<vmem>>, %arg13: memref<10256x256xbf16, #tpu.memory_space<vmem_shared>>, %arg14: memref<!tpu.dma_semaphore, #tpu.memory_space<semaphore_mem>>, %arg15: memref<!tpu.dma_semaphore, #tpu.memory_space<semaphore_mem>>, %arg16: memref<!tpu.dma_semaphore, #tpu.memory_space<semaphore_mem>>, %arg17: memref<!tpu.dma_semaphore, #tpu.memory_space<semaphore_mem>>, %arg18: memref<!tpu.dma_semaphore, #tpu.memory_space<semaphore_mem>>) attributes {dimension_semantics = [#tpu.dimension_semantics<core_parallel>, #tpu.dimension_semantics<subcore_parallel>], iteration_bounds = array<i64: 2, 16>, scalar_prefetch = 0 : i64, scratch_operands = 12 : i64, tpu.core_type = #tpu.core_type<sc_vector_subcore>, window_params = [{transform_indices = #map}, {transform_indices = #map1}, {transform_indices = #map1}, {transform_indices = #map}, {transform_indices = #map2}]} {
    %mul3A = arith.constant 16 : i32
    %mul3A_0 = arith.muli %arg0, %mul3A : i32
    %add3A = arith.addi %mul3A_0, %arg1 : i32
    %mul3A_1 = arith.constant 10240 : i32
    %mul3A_2 = arith.muli %add3A, %mul3A_1 : i32
    %mul3A_3 = arith.constant 632 : i32
    %mul3A_4 = arith.muli %arg1, %mul3A_3 : i32
    %lt3A = arith.constant 15 : i32
    %lt3A_5 = arith.cmpi slt, %arg1, %lt3A : i32
    %convert_element_type3A = arith.extui %lt3A_5 : i1 to i32
    %cond3A = arith.constant 0 : i32
    %cond3A_6 = arith.cmpi ne, %convert_element_type3A, %cond3A : i32
    scf.if %cond3A_6 {
      %dma_start3A = arith.constant 0 : i32
      %dma_start3A_25 = tpu.memref_slice %arg13[%mul3A_4, %dma_start3A] : memref<10256x256xbf16, #tpu.memory_space<vmem_shared>> -> memref<632x256xbf16, #tpu.memory_space<vmem_shared>>
      tpu.enqueue_dma source(%arg5 : memref<632x256xbf16, #tpu.memory_space<hbm>>) target(%dma_start3A_25 : memref<632x256xbf16, #tpu.memory_space<vmem_shared>>) target_semaphore(%arg18 : memref<!tpu.dma_semaphore, #tpu.memory_space<semaphore_mem>>)
    } else {
    }
    %eq3A = arith.constant 15 : i32
    %eq3A_7 = arith.cmpi eq, %arg1, %eq3A : i32
    %convert_element_type3A_8 = arith.extui %eq3A_7 : i1 to i32
    %cond3A_9 = arith.constant 0 : i32
    %cond3A_10 = arith.cmpi ne, %convert_element_type3A_8, %cond3A_9 : i32
    scf.if %cond3A_10 {
      %dma_start3A = arith.constant 0 : i32
      %dma_start3A_25 = tpu.memref_slice %arg13[%mul3A_4, %dma_start3A] : memref<10256x256xbf16, #tpu.memory_space<vmem_shared>> -> memref<520x256xbf16, #tpu.memory_space<vmem_shared>>
      %dma_start3A_26 = arith.constant 0 : i32
      %dma_start3A_27 = arith.constant 0 : i32
      %dma_start3A_28 = tpu.memref_slice %arg5[%dma_start3A_26, %dma_start3A_27] : memref<632x256xbf16, #tpu.memory_space<hbm>> -> memref<520x256xbf16, #tpu.memory_space<hbm>>
      tpu.enqueue_dma source(%dma_start3A_28 : memref<520x256xbf16, #tpu.memory_space<hbm>>) target(%dma_start3A_25 : memref<520x256xbf16, #tpu.memory_space<vmem_shared>>) target_semaphore(%arg18 : memref<!tpu.dma_semaphore, #tpu.memory_space<semaphore_mem>>)
    } else {
    }
    %scan3A = arith.constant 0 : i32
    %scan3A_11 = arith.constant 41 : i32
    %scan3A_12 = arith.addi %scan3A, %scan3A_11 : i32
    %scan3A_13 = arith.constant 1 : i32
    scf.for %scan3A_25 = %scan3A to %scan3A_12 step %scan3A_13  : i32 {
      %mul3A_26 = arith.constant 2 : i32
      %mul3A_27 = arith.muli %scan3A_25, %mul3A_26 : i32
      %add3A_28 = arith.constant 0 : i32
      %add3A_29 = arith.addi %add3A_28, %mul3A_27 : i32
      %ge3A = arith.constant 2 : i32
      %ge3A_30 = arith.cmpi sge, %add3A_29, %ge3A : i32
      %convert_element_type3A_31 = arith.extui %ge3A_30 : i1 to i32
      %cond3A_32 = arith.constant 0 : i32
      %cond3A_33 = arith.cmpi ne, %convert_element_type3A_31, %cond3A_32 : i32
      scf.if %cond3A_33 {
        %dma_wait3A = arith.constant 0 : i32
        %dma_wait3A_75 = arith.constant 0 : i32
        %dma_wait3A_76 = tpu.memref_slice %arg13[%dma_wait3A, %dma_wait3A_75] : memref<10256x256xbf16, #tpu.memory_space<vmem_shared>> -> memref<10256x256xbf16, #tpu.memory_space<vmem_shared>>
        tpu.wait_indirect_dma semaphore(%arg16 : memref<!tpu.dma_semaphore, #tpu.memory_space<semaphore_mem>>) src(%arg11 : memref<128x256xbf16, #tpu.memory_space<vmem>>) dst(%dma_wait3A_76 : memref<10256x256xbf16, #tpu.memory_space<vmem_shared>>)
      } else {
      }
      %lt3A_34 = arith.constant 80 : i32
      %lt3A_35 = arith.cmpi slt, %add3A_29, %lt3A_34 : i32
      %convert_element_type3A_36 = arith.extui %lt3A_35 : i1 to i32
      %cond3A_37 = arith.constant 0 : i32
      %cond3A_38 = arith.cmpi ne, %convert_element_type3A_36, %cond3A_37 : i32
      scf.if %cond3A_38 {
        %mul3A_75 = arith.constant 128 : i32
        %mul3A_76 = arith.muli %add3A_29, %mul3A_75 : i32
        %add3A_77 = arith.addi %mul3A_2, %mul3A_76 : i32
        "tpu.region"() ({
          %run_scoped3A = tpu.sem_alloc : memref<!tpu.dma_semaphore, #tpu.memory_space<semaphore_mem>>
          %dma_start3A_80 = tpu.memref_slice %arg3[%add3A_77] : memref<327680xi32, #tpu.memory_space<hbm>> -> memref<128xi32, #tpu.memory_space<hbm>>
          %dma_start3A_81 = tpu.memref_slice %arg3[%add3A_77] : memref<327680xi32, #tpu.memory_space<hbm>> -> memref<128xi32, #tpu.memory_space<hbm>>
          tpu.enqueue_dma source(%dma_start3A_81 : memref<128xi32, #tpu.memory_space<hbm>>) target(%arg7 : memref<128xi32, #tpu.memory_space<vmem>>) target_semaphore(%run_scoped3A : memref<!tpu.dma_semaphore, #tpu.memory_space<semaphore_mem>>)
          %dma_wait3A = tpu.memref_slice %arg3[%add3A_77] : memref<327680xi32, #tpu.memory_space<hbm>> -> memref<128xi32, #tpu.memory_space<hbm>>
          %dma_wait3A_82 = tpu.memref_slice %arg3[%add3A_77] : memref<327680xi32, #tpu.memory_space<hbm>> -> memref<128xi32, #tpu.memory_space<hbm>>
          tpu.wait_dma2 semaphore(%run_scoped3A : memref<!tpu.dma_semaphore, #tpu.memory_space<semaphore_mem>>) src(%dma_wait3A_82 : memref<128xi32, #tpu.memory_space<hbm>>) dst(%arg7 : memref<128xi32, #tpu.memory_space<vmem>>)
          tpu.yield
        }) : () -> ()
        "tpu.region"() ({
          %run_scoped3A = tpu.sem_alloc : memref<!tpu.dma_semaphore, #tpu.memory_space<semaphore_mem>>
          %dma_start3A_80 = tpu.memref_slice %arg4[%add3A_77] : memref<327680xi32, #tpu.memory_space<hbm>> -> memref<128xi32, #tpu.memory_space<hbm>>
          %dma_start3A_81 = tpu.memref_slice %arg4[%add3A_77] : memref<327680xi32, #tpu.memory_space<hbm>> -> memref<128xi32, #tpu.memory_space<hbm>>
          tpu.enqueue_dma source(%dma_start3A_81 : memref<128xi32, #tpu.memory_space<hbm>>) target(%arg9 : memref<128xi32, #tpu.memory_space<vmem>>) target_semaphore(%run_scoped3A : memref<!tpu.dma_semaphore, #tpu.memory_space<semaphore_mem>>)
          %dma_wait3A = tpu.memref_slice %arg4[%add3A_77] : memref<327680xi32, #tpu.memory_space<hbm>> -> memref<128xi32, #tpu.memory_space<hbm>>
          %dma_wait3A_82 = tpu.memref_slice %arg4[%add3A_77] : memref<327680xi32, #tpu.memory_space<hbm>> -> memref<128xi32, #tpu.memory_space<hbm>>
          tpu.wait_dma2 semaphore(%run_scoped3A : memref<!tpu.dma_semaphore, #tpu.memory_space<semaphore_mem>>) src(%dma_wait3A_82 : memref<128xi32, #tpu.memory_space<hbm>>) dst(%arg9 : memref<128xi32, #tpu.memory_space<vmem>>)
          tpu.yield
        }) : () -> ()
        %dma_start3A = arith.constant 0 : i32
        %dma_start3A_78 = arith.constant 0 : i32
        %dma_start3A_79 = tpu.memref_slice %arg2[%dma_start3A, %dma_start3A_78] : memref<10000x256xbf16, #tpu.memory_space<hbm>> -> memref<10000x256xbf16, #tpu.memory_space<hbm>>
        tpu.enqueue_indirect_dma source(%dma_start3A_79 : memref<10000x256xbf16, #tpu.memory_space<hbm>>) target(%arg11 : memref<128x256xbf16, #tpu.memory_space<vmem>>) offsets(%arg7 : memref<128xi32, #tpu.memory_space<vmem>>) semaphore(%arg14 : memref<!tpu.dma_semaphore, #tpu.memory_space<semaphore_mem>>)
      } else {
      }
      %eq3A_39 = arith.constant 1 : i32
      %eq3A_40 = arith.cmpi eq, %add3A_29, %eq3A_39 : i32
      %convert_element_type3A_41 = arith.extui %eq3A_40 : i1 to i32
      %cond3A_42 = arith.constant 0 : i32
      %cond3A_43 = arith.cmpi ne, %convert_element_type3A_41, %cond3A_42 : i32
      scf.if %cond3A_43 {
        %lt3A_75 = arith.constant 15 : i32
        %lt3A_76 = arith.cmpi slt, %arg1, %lt3A_75 : i32
        %convert_element_type3A_77 = arith.extui %lt3A_76 : i1 to i32
        %cond3A_78 = arith.constant 0 : i32
        %cond3A_79 = arith.cmpi ne, %convert_element_type3A_77, %cond3A_78 : i32
        scf.if %cond3A_79 {
          %dma_wait3A = arith.constant 0 : i32
          %dma_wait3A_86 = tpu.memref_slice %arg13[%mul3A_4, %dma_wait3A] : memref<10256x256xbf16, #tpu.memory_space<vmem_shared>> -> memref<632x256xbf16, #tpu.memory_space<vmem_shared>>
          tpu.wait_dma2 semaphore(%arg18 : memref<!tpu.dma_semaphore, #tpu.memory_space<semaphore_mem>>) src(%arg5 : memref<632x256xbf16, #tpu.memory_space<hbm>>) dst(%dma_wait3A_86 : memref<632x256xbf16, #tpu.memory_space<vmem_shared>>)
        } else {
        }
        %eq3A_80 = arith.constant 15 : i32
        %eq3A_81 = arith.cmpi eq, %arg1, %eq3A_80 : i32
        %convert_element_type3A_82 = arith.extui %eq3A_81 : i1 to i32
        %cond3A_83 = arith.constant 0 : i32
        %cond3A_84 = arith.cmpi ne, %convert_element_type3A_82, %cond3A_83 : i32
        scf.if %cond3A_84 {
          %dma_wait3A = arith.constant 0 : i32
          %dma_wait3A_86 = tpu.memref_slice %arg13[%mul3A_4, %dma_wait3A] : memref<10256x256xbf16, #tpu.memory_space<vmem_shared>> -> memref<520x256xbf16, #tpu.memory_space<vmem_shared>>
          %dma_wait3A_87 = arith.constant 0 : i32
          %dma_wait3A_88 = arith.constant 0 : i32
          %dma_wait3A_89 = tpu.memref_slice %arg5[%dma_wait3A_87, %dma_wait3A_88] : memref<632x256xbf16, #tpu.memory_space<hbm>> -> memref<520x256xbf16, #tpu.memory_space<hbm>>
          tpu.wait_dma2 semaphore(%arg18 : memref<!tpu.dma_semaphore, #tpu.memory_space<semaphore_mem>>) src(%dma_wait3A_89 : memref<520x256xbf16, #tpu.memory_space<hbm>>) dst(%dma_wait3A_86 : memref<520x256xbf16, #tpu.memory_space<vmem_shared>>)
        } else {
        }
        %barrier3A_85 = arith.constant 0 : index
        tpu.barrier barrier_id(%barrier3A_85)
      } else {
      }
      %ge3A_44 = arith.constant 1 : i32
      %ge3A_45 = arith.cmpi sge, %add3A_29, %ge3A_44 : i32
      %le3A = arith.constant 80 : i32
      %le3A_46 = arith.cmpi sle, %add3A_29, %le3A : i32
      %and3A = arith.andi %ge3A_45, %le3A_46 : i1
      %convert_element_type3A_47 = arith.extui %and3A : i1 to i32
      %cond3A_48 = arith.constant 0 : i32
      %cond3A_49 = arith.cmpi ne, %convert_element_type3A_47, %cond3A_48 : i32
      scf.if %cond3A_49 {
        %dma_wait3A = arith.constant 0 : i32
        %dma_wait3A_75 = arith.constant 0 : i32
        %dma_wait3A_76 = tpu.memref_slice %arg2[%dma_wait3A, %dma_wait3A_75] : memref<10000x256xbf16, #tpu.memory_space<hbm>> -> memref<10000x256xbf16, #tpu.memory_space<hbm>>
        tpu.wait_indirect_dma semaphore(%arg15 : memref<!tpu.dma_semaphore, #tpu.memory_space<semaphore_mem>>) src(%dma_wait3A_76 : memref<10000x256xbf16, #tpu.memory_space<hbm>>) dst(%arg12 : memref<128x256xbf16, #tpu.memory_space<vmem>>)
        %dma_start3A = arith.constant 0 : i32
        %dma_start3A_77 = arith.constant 0 : i32
        %dma_start3A_78 = tpu.memref_slice %arg13[%dma_start3A, %dma_start3A_77] : memref<10256x256xbf16, #tpu.memory_space<vmem_shared>> -> memref<10256x256xbf16, #tpu.memory_space<vmem_shared>>
        tpu.enqueue_indirect_dma source(%arg12 : memref<128x256xbf16, #tpu.memory_space<vmem>>) target(%dma_start3A_78 : memref<10256x256xbf16, #tpu.memory_space<vmem_shared>>) offsets(%arg10 : memref<128xi32, #tpu.memory_space<vmem>>) semaphore(%arg17 : memref<!tpu.dma_semaphore, #tpu.memory_space<semaphore_mem>>) {add = true}
      } else {
      }
      %add3A_50 = arith.constant 1 : i32
      %add3A_51 = arith.addi %add3A_29, %add3A_50 : i32
      %ge3A_52 = arith.constant 2 : i32
      %ge3A_53 = arith.cmpi sge, %add3A_51, %ge3A_52 : i32
      %convert_element_type3A_54 = arith.extui %ge3A_53 : i1 to i32
      %cond3A_55 = arith.constant 0 : i32
      %cond3A_56 = arith.cmpi ne, %convert_element_type3A_54, %cond3A_55 : i32
      scf.if %cond3A_56 {
        %dma_wait3A = arith.constant 0 : i32
        %dma_wait3A_75 = arith.constant 0 : i32
        %dma_wait3A_76 = tpu.memref_slice %arg13[%dma_wait3A, %dma_wait3A_75] : memref<10256x256xbf16, #tpu.memory_space<vmem_shared>> -> memref<10256x256xbf16, #tpu.memory_space<vmem_shared>>
        tpu.wait_indirect_dma semaphore(%arg17 : memref<!tpu.dma_semaphore, #tpu.memory_space<semaphore_mem>>) src(%arg12 : memref<128x256xbf16, #tpu.memory_space<vmem>>) dst(%dma_wait3A_76 : memref<10256x256xbf16, #tpu.memory_space<vmem_shared>>)
      } else {
      }
      %lt3A_57 = arith.constant 80 : i32
      %lt3A_58 = arith.cmpi slt, %add3A_51, %lt3A_57 : i32
      %convert_element_type3A_59 = arith.extui %lt3A_58 : i1 to i32
      %cond3A_60 = arith.constant 0 : i32
      %cond3A_61 = arith.cmpi ne, %convert_element_type3A_59, %cond3A_60 : i32
      scf.if %cond3A_61 {
        %mul3A_75 = arith.constant 128 : i32
        %mul3A_76 = arith.muli %add3A_51, %mul3A_75 : i32
        %add3A_77 = arith.addi %mul3A_2, %mul3A_76 : i32
        "tpu.region"() ({
          %run_scoped3A = tpu.sem_alloc : memref<!tpu.dma_semaphore, #tpu.memory_space<semaphore_mem>>
          %dma_start3A_80 = tpu.memref_slice %arg3[%add3A_77] : memref<327680xi32, #tpu.memory_space<hbm>> -> memref<128xi32, #tpu.memory_space<hbm>>
          %dma_start3A_81 = tpu.memref_slice %arg3[%add3A_77] : memref<327680xi32, #tpu.memory_space<hbm>> -> memref<128xi32, #tpu.memory_space<hbm>>
          tpu.enqueue_dma source(%dma_start3A_81 : memref<128xi32, #tpu.memory_space<hbm>>) target(%arg8 : memref<128xi32, #tpu.memory_space<vmem>>) target_semaphore(%run_scoped3A : memref<!tpu.dma_semaphore, #tpu.memory_space<semaphore_mem>>)
          %dma_wait3A = tpu.memref_slice %arg3[%add3A_77] : memref<327680xi32, #tpu.memory_space<hbm>> -> memref<128xi32, #tpu.memory_space<hbm>>
          %dma_wait3A_82 = tpu.memref_slice %arg3[%add3A_77] : memref<327680xi32, #tpu.memory_space<hbm>> -> memref<128xi32, #tpu.memory_space<hbm>>
          tpu.wait_dma2 semaphore(%run_scoped3A : memref<!tpu.dma_semaphore, #tpu.memory_space<semaphore_mem>>) src(%dma_wait3A_82 : memref<128xi32, #tpu.memory_space<hbm>>) dst(%arg8 : memref<128xi32, #tpu.memory_space<vmem>>)
          tpu.yield
        }) : () -> ()
        "tpu.region"() ({
          %run_scoped3A = tpu.sem_alloc : memref<!tpu.dma_semaphore, #tpu.memory_space<semaphore_mem>>
          %dma_start3A_80 = tpu.memref_slice %arg4[%add3A_77] : memref<327680xi32, #tpu.memory_space<hbm>> -> memref<128xi32, #tpu.memory_space<hbm>>
          %dma_start3A_81 = tpu.memref_slice %arg4[%add3A_77] : memref<327680xi32, #tpu.memory_space<hbm>> -> memref<128xi32, #tpu.memory_space<hbm>>
          tpu.enqueue_dma source(%dma_start3A_81 : memref<128xi32, #tpu.memory_space<hbm>>) target(%arg10 : memref<128xi32, #tpu.memory_space<vmem>>) target_semaphore(%run_scoped3A : memref<!tpu.dma_semaphore, #tpu.memory_space<semaphore_mem>>)
          %dma_wait3A = tpu.memref_slice %arg4[%add3A_77] : memref<327680xi32, #tpu.memory_space<hbm>> -> memref<128xi32, #tpu.memory_space<hbm>>
          %dma_wait3A_82 = tpu.memref_slice %arg4[%add3A_77] : memref<327680xi32, #tpu.memory_space<hbm>> -> memref<128xi32, #tpu.memory_space<hbm>>
          tpu.wait_dma2 semaphore(%run_scoped3A : memref<!tpu.dma_semaphore, #tpu.memory_space<semaphore_mem>>) src(%dma_wait3A_82 : memref<128xi32, #tpu.memory_space<hbm>>) dst(%arg10 : memref<128xi32, #tpu.memory_space<vmem>>)
          tpu.yield
        }) : () -> ()
        %dma_start3A = arith.constant 0 : i32
        %dma_start3A_78 = arith.constant 0 : i32
        %dma_start3A_79 = tpu.memref_slice %arg2[%dma_start3A, %dma_start3A_78] : memref<10000x256xbf16, #tpu.memory_space<hbm>> -> memref<10000x256xbf16, #tpu.memory_space<hbm>>
        tpu.enqueue_indirect_dma source(%dma_start3A_79 : memref<10000x256xbf16, #tpu.memory_space<hbm>>) target(%arg12 : memref<128x256xbf16, #tpu.memory_space<vmem>>) offsets(%arg8 : memref<128xi32, #tpu.memory_space<vmem>>) semaphore(%arg15 : memref<!tpu.dma_semaphore, #tpu.memory_space<semaphore_mem>>)
      } else {
      }
      %eq3A_62 = arith.constant 1 : i32
      %eq3A_63 = arith.cmpi eq, %add3A_51, %eq3A_62 : i32
      %convert_element_type3A_64 = arith.extui %eq3A_63 : i1 to i32
      %cond3A_65 = arith.constant 0 : i32
      %cond3A_66 = arith.cmpi ne, %convert_element_type3A_64, %cond3A_65 : i32
      scf.if %cond3A_66 {
        %lt3A_75 = arith.constant 15 : i32
        %lt3A_76 = arith.cmpi slt, %arg1, %lt3A_75 : i32
        %convert_element_type3A_77 = arith.extui %lt3A_76 : i1 to i32
        %cond3A_78 = arith.constant 0 : i32
        %cond3A_79 = arith.cmpi ne, %convert_element_type3A_77, %cond3A_78 : i32
        scf.if %cond3A_79 {
          %dma_wait3A = arith.constant 0 : i32
          %dma_wait3A_86 = tpu.memref_slice %arg13[%mul3A_4, %dma_wait3A] : memref<10256x256xbf16, #tpu.memory_space<vmem_shared>> -> memref<632x256xbf16, #tpu.memory_space<vmem_shared>>
          tpu.wait_dma2 semaphore(%arg18 : memref<!tpu.dma_semaphore, #tpu.memory_space<semaphore_mem>>) src(%arg5 : memref<632x256xbf16, #tpu.memory_space<hbm>>) dst(%dma_wait3A_86 : memref<632x256xbf16, #tpu.memory_space<vmem_shared>>)
        } else {
        }
        %eq3A_80 = arith.constant 15 : i32
        %eq3A_81 = arith.cmpi eq, %arg1, %eq3A_80 : i32
        %convert_element_type3A_82 = arith.extui %eq3A_81 : i1 to i32
        %cond3A_83 = arith.constant 0 : i32
        %cond3A_84 = arith.cmpi ne, %convert_element_type3A_82, %cond3A_83 : i32
        scf.if %cond3A_84 {
          %dma_wait3A = arith.constant 0 : i32
          %dma_wait3A_86 = tpu.memref_slice %arg13[%mul3A_4, %dma_wait3A] : memref<10256x256xbf16, #tpu.memory_space<vmem_shared>> -> memref<520x256xbf16, #tpu.memory_space<vmem_shared>>
          %dma_wait3A_87 = arith.constant 0 : i32
          %dma_wait3A_88 = arith.constant 0 : i32
          %dma_wait3A_89 = tpu.memref_slice %arg5[%dma_wait3A_87, %dma_wait3A_88] : memref<632x256xbf16, #tpu.memory_space<hbm>> -> memref<520x256xbf16, #tpu.memory_space<hbm>>
          tpu.wait_dma2 semaphore(%arg18 : memref<!tpu.dma_semaphore, #tpu.memory_space<semaphore_mem>>) src(%dma_wait3A_89 : memref<520x256xbf16, #tpu.memory_space<hbm>>) dst(%dma_wait3A_86 : memref<520x256xbf16, #tpu.memory_space<vmem_shared>>)
        } else {
        }
        %barrier3A_85 = arith.constant 0 : index
        tpu.barrier barrier_id(%barrier3A_85)
      } else {
      }
      %ge3A_67 = arith.constant 1 : i32
      %ge3A_68 = arith.cmpi sge, %add3A_51, %ge3A_67 : i32
      %le3A_69 = arith.constant 80 : i32
      %le3A_70 = arith.cmpi sle, %add3A_51, %le3A_69 : i32
      %and3A_71 = arith.andi %ge3A_68, %le3A_70 : i1
      %convert_element_type3A_72 = arith.extui %and3A_71 : i1 to i32
      %cond3A_73 = arith.constant 0 : i32
      %cond3A_74 = arith.cmpi ne, %convert_element_type3A_72, %cond3A_73 : i32
      scf.if %cond3A_74 {
        %dma_wait3A = arith.constant 0 : i32
        %dma_wait3A_75 = arith.constant 0 : i32
        %dma_wait3A_76 = tpu.memref_slice %arg2[%dma_wait3A, %dma_wait3A_75] : memref<10000x256xbf16, #tpu.memory_space<hbm>> -> memref<10000x256xbf16, #tpu.memory_space<hbm>>
        tpu.wait_indirect_dma semaphore(%arg14 : memref<!tpu.dma_semaphore, #tpu.memory_space<semaphore_mem>>) src(%dma_wait3A_76 : memref<10000x256xbf16, #tpu.memory_space<hbm>>) dst(%arg11 : memref<128x256xbf16, #tpu.memory_space<vmem>>)
        %dma_start3A = arith.constant 0 : i32
        %dma_start3A_77 = arith.constant 0 : i32
        %dma_start3A_78 = tpu.memref_slice %arg13[%dma_start3A, %dma_start3A_77] : memref<10256x256xbf16, #tpu.memory_space<vmem_shared>> -> memref<10256x256xbf16, #tpu.memory_space<vmem_shared>>
        tpu.enqueue_indirect_dma source(%arg11 : memref<128x256xbf16, #tpu.memory_space<vmem>>) target(%dma_start3A_78 : memref<10256x256xbf16, #tpu.memory_space<vmem_shared>>) offsets(%arg9 : memref<128xi32, #tpu.memory_space<vmem>>) semaphore(%arg16 : memref<!tpu.dma_semaphore, #tpu.memory_space<semaphore_mem>>) {add = true}
      } else {
      }
    }
    %scan3A_14 = arith.constant 41 : i32
    %barrier3A = arith.constant 0 : index
    tpu.barrier barrier_id(%barrier3A)
    %lt3A_15 = arith.constant 15 : i32
    %lt3A_16 = arith.cmpi slt, %arg1, %lt3A_15 : i32
    %convert_element_type3A_17 = arith.extui %lt3A_16 : i1 to i32
    %cond3A_18 = arith.constant 0 : i32
    %cond3A_19 = arith.cmpi ne, %convert_element_type3A_17, %cond3A_18 : i32
    scf.if %cond3A_19 {
      "tpu.region"() ({
        %run_scoped3A = tpu.sem_alloc : memref<!tpu.dma_semaphore, #tpu.memory_space<semaphore_mem>>
        %dma_start3A = arith.constant 0 : i32
        %dma_start3A_25 = tpu.memref_slice %arg6[%arg0, %mul3A_4, %dma_start3A] : memref<2x10000x256xbf16, #tpu.memory_space<hbm>> -> memref<1x632x256xbf16, #tpu.memory_space<hbm>>
        %dma_start3A_26 = tpu.memref_squeeze %dma_start3A_25 : memref<1x632x256xbf16, #tpu.memory_space<hbm>> -> memref<632x256xbf16, #tpu.memory_space<hbm>>
        %dma_start3A_27 = arith.constant 0 : i32
        %dma_start3A_28 = tpu.memref_slice %arg13[%mul3A_4, %dma_start3A_27] : memref<10256x256xbf16, #tpu.memory_space<vmem_shared>> -> memref<632x256xbf16, #tpu.memory_space<vmem_shared>>
        tpu.enqueue_dma source(%dma_start3A_28 : memref<632x256xbf16, #tpu.memory_space<vmem_shared>>) target(%dma_start3A_26 : memref<632x256xbf16, #tpu.memory_space<hbm>>) target_semaphore(%run_scoped3A : memref<!tpu.dma_semaphore, #tpu.memory_space<semaphore_mem>>)
        %dma_wait3A = arith.constant 0 : i32
        %dma_wait3A_29 = tpu.memref_slice %arg6[%arg0, %mul3A_4, %dma_wait3A] : memref<2x10000x256xbf16, #tpu.memory_space<hbm>> -> memref<1x632x256xbf16, #tpu.memory_space<hbm>>
        %dma_wait3A_30 = tpu.memref_squeeze %dma_wait3A_29 : memref<1x632x256xbf16, #tpu.memory_space<hbm>> -> memref<632x256xbf16, #tpu.memory_space<hbm>>
        %dma_wait3A_31 = arith.constant 0 : i32
        %dma_wait3A_32 = tpu.memref_slice %arg13[%mul3A_4, %dma_wait3A_31] : memref<10256x256xbf16, #tpu.memory_space<vmem_shared>> -> memref<632x256xbf16, #tpu.memory_space<vmem_shared>>
        tpu.wait_dma2 semaphore(%run_scoped3A : memref<!tpu.dma_semaphore, #tpu.memory_space<semaphore_mem>>) src(%dma_wait3A_32 : memref<632x256xbf16, #tpu.memory_space<vmem_shared>>) dst(%dma_wait3A_30 : memref<632x256xbf16, #tpu.memory_space<hbm>>)
        tpu.yield
      }) : () -> ()
    } else {
    }
    %eq3A_20 = arith.constant 15 : i32
    %eq3A_21 = arith.cmpi eq, %arg1, %eq3A_20 : i32
    %convert_element_type3A_22 = arith.extui %eq3A_21 : i1 to i32
    %cond3A_23 = arith.constant 0 : i32
    %cond3A_24 = arith.cmpi ne, %convert_element_type3A_22, %cond3A_23 : i32
    scf.if %cond3A_24 {
      "tpu.region"() ({
        %run_scoped3A = tpu.sem_alloc : memref<!tpu.dma_semaphore, #tpu.memory_space<semaphore_mem>>
        %dma_start3A = arith.constant 0 : i32
        %dma_start3A_25 = tpu.memref_slice %arg6[%arg0, %mul3A_4, %dma_start3A] : memref<2x10000x256xbf16, #tpu.memory_space<hbm>> -> memref<1x520x256xbf16, #tpu.memory_space<hbm>>
        %dma_start3A_26 = tpu.memref_squeeze %dma_start3A_25 : memref<1x520x256xbf16, #tpu.memory_space<hbm>> -> memref<520x256xbf16, #tpu.memory_space<hbm>>
        %dma_start3A_27 = arith.constant 0 : i32
        %dma_start3A_28 = tpu.memref_slice %arg13[%mul3A_4, %dma_start3A_27] : memref<10256x256xbf16, #tpu.memory_space<vmem_shared>> -> memref<520x256xbf16, #tpu.memory_space<vmem_shared>>
        tpu.enqueue_dma source(%dma_start3A_28 : memref<520x256xbf16, #tpu.memory_space<vmem_shared>>) target(%dma_start3A_26 : memref<520x256xbf16, #tpu.memory_space<hbm>>) target_semaphore(%run_scoped3A : memref<!tpu.dma_semaphore, #tpu.memory_space<semaphore_mem>>)
        %dma_wait3A = arith.constant 0 : i32
        %dma_wait3A_29 = tpu.memref_slice %arg6[%arg0, %mul3A_4, %dma_wait3A] : memref<2x10000x256xbf16, #tpu.memory_space<hbm>> -> memref<1x520x256xbf16, #tpu.memory_space<hbm>>
        %dma_wait3A_30 = tpu.memref_squeeze %dma_wait3A_29 : memref<1x520x256xbf16, #tpu.memory_space<hbm>> -> memref<520x256xbf16, #tpu.memory_space<hbm>>
        %dma_wait3A_31 = arith.constant 0 : i32
        %dma_wait3A_32 = tpu.memref_slice %arg13[%mul3A_4, %dma_wait3A_31] : memref<10256x256xbf16, #tpu.memory_space<vmem_shared>> -> memref<520x256xbf16, #tpu.memory_space<vmem_shared>>
        tpu.wait_dma2 semaphore(%run_scoped3A : memref<!tpu.dma_semaphore, #tpu.memory_space<semaphore_mem>>) src(%dma_wait3A_32 : memref<520x256xbf16, #tpu.memory_space<vmem_shared>>) dst(%dma_wait3A_30 : memref<520x256xbf16, #tpu.memory_space<hbm>>)
        tpu.yield
      }) : () -> ()
    } else {
    }
    return
  }
}

#map = affine_map<(d0, d1) -> (0, 0)>
#map1 = affine_map<(d0, d1) -> (0)>
#map2 = affine_map<(d0, d1) -> (0, 0, 0)>
module attributes {stable_mosaic.version = 14 : i64} {
  func.func @agg_kernel(%arg0: i32, %arg1: i32, %arg2: memref<10000x160xbf16, #tpu.memory_space<hbm>>, %arg3: memref<327680xi32, #tpu.memory_space<hbm>>, %arg4: memref<327680xi32, #tpu.memory_space<hbm>>, %arg5: memref<632x160xbf16, #tpu.memory_space<hbm>>, %arg6: memref<2x10000x160xbf16, #tpu.memory_space<hbm>>, %arg7: memref<128xi32, #tpu.memory_space<vmem>>, %arg8: memref<128xi32, #tpu.memory_space<vmem>>, %arg9: memref<128xi32, #tpu.memory_space<vmem>>, %arg10: memref<128xi32, #tpu.memory_space<vmem>>, %arg11: memref<128x160xbf16, #tpu.memory_space<vmem>>, %arg12: memref<128x160xbf16, #tpu.memory_space<vmem>>, %arg13: memref<10256x160xbf16, #tpu.memory_space<vmem_shared>>, %arg14: memref<!tpu.dma_semaphore, #tpu.memory_space<semaphore_mem>>, %arg15: memref<!tpu.dma_semaphore, #tpu.memory_space<semaphore_mem>>, %arg16: memref<!tpu.dma_semaphore, #tpu.memory_space<semaphore_mem>>, %arg17: memref<!tpu.dma_semaphore, #tpu.memory_space<semaphore_mem>>, %arg18: memref<!tpu.dma_semaphore, #tpu.memory_space<semaphore_mem>>) attributes {dimension_semantics = [#tpu.dimension_semantics<core_parallel>, #tpu.dimension_semantics<subcore_parallel>], iteration_bounds = array<i64: 2, 16>, scalar_prefetch = 0 : i64, scratch_operands = 12 : i64, tpu.core_type = #tpu.core_type<sc_vector_subcore>, window_params = [{transform_indices = #map}, {transform_indices = #map1}, {transform_indices = #map1}, {transform_indices = #map}, {transform_indices = #map2}]} {
    %mul3A = arith.constant 16 : i32
    %mul3A_0 = arith.muli %arg0, %mul3A : i32
    %add3A = arith.addi %mul3A_0, %arg1 : i32
    %mul3A_1 = arith.constant 10240 : i32
    %mul3A_2 = arith.muli %add3A, %mul3A_1 : i32
    %mul3A_3 = arith.constant 632 : i32
    %mul3A_4 = arith.muli %arg1, %mul3A_3 : i32
    %lt3A = arith.constant 15 : i32
    %lt3A_5 = arith.cmpi slt, %arg1, %lt3A : i32
    %convert_element_type3A = arith.extui %lt3A_5 : i1 to i32
    %cond3A = arith.constant 0 : i32
    %cond3A_6 = arith.cmpi ne, %convert_element_type3A, %cond3A : i32
    scf.if %cond3A_6 {
      %dma_start3A = arith.constant 0 : i32
      %dma_start3A_25 = tpu.memref_slice %arg13[%mul3A_4, %dma_start3A] : memref<10256x160xbf16, #tpu.memory_space<vmem_shared>> -> memref<632x160xbf16, #tpu.memory_space<vmem_shared>>
      tpu.enqueue_dma source(%arg5 : memref<632x160xbf16, #tpu.memory_space<hbm>>) target(%dma_start3A_25 : memref<632x160xbf16, #tpu.memory_space<vmem_shared>>) target_semaphore(%arg18 : memref<!tpu.dma_semaphore, #tpu.memory_space<semaphore_mem>>)
    } else {
    }
    %eq3A = arith.constant 15 : i32
    %eq3A_7 = arith.cmpi eq, %arg1, %eq3A : i32
    %convert_element_type3A_8 = arith.extui %eq3A_7 : i1 to i32
    %cond3A_9 = arith.constant 0 : i32
    %cond3A_10 = arith.cmpi ne, %convert_element_type3A_8, %cond3A_9 : i32
    scf.if %cond3A_10 {
      %dma_start3A = arith.constant 0 : i32
      %dma_start3A_25 = tpu.memref_slice %arg13[%mul3A_4, %dma_start3A] : memref<10256x160xbf16, #tpu.memory_space<vmem_shared>> -> memref<520x160xbf16, #tpu.memory_space<vmem_shared>>
      %dma_start3A_26 = arith.constant 0 : i32
      %dma_start3A_27 = arith.constant 0 : i32
      %dma_start3A_28 = tpu.memref_slice %arg5[%dma_start3A_26, %dma_start3A_27] : memref<632x160xbf16, #tpu.memory_space<hbm>> -> memref<520x160xbf16, #tpu.memory_space<hbm>>
      tpu.enqueue_dma source(%dma_start3A_28 : memref<520x160xbf16, #tpu.memory_space<hbm>>) target(%dma_start3A_25 : memref<520x160xbf16, #tpu.memory_space<vmem_shared>>) target_semaphore(%arg18 : memref<!tpu.dma_semaphore, #tpu.memory_space<semaphore_mem>>)
    } else {
    }
    %scan3A = arith.constant 0 : i32
    %scan3A_11 = arith.constant 41 : i32
    %scan3A_12 = arith.addi %scan3A, %scan3A_11 : i32
    %scan3A_13 = arith.constant 1 : i32
    scf.for %scan3A_25 = %scan3A to %scan3A_12 step %scan3A_13  : i32 {
      %mul3A_26 = arith.constant 2 : i32
      %mul3A_27 = arith.muli %scan3A_25, %mul3A_26 : i32
      %add3A_28 = arith.constant 0 : i32
      %add3A_29 = arith.addi %add3A_28, %mul3A_27 : i32
      %ge3A = arith.constant 2 : i32
      %ge3A_30 = arith.cmpi sge, %add3A_29, %ge3A : i32
      %convert_element_type3A_31 = arith.extui %ge3A_30 : i1 to i32
      %cond3A_32 = arith.constant 0 : i32
      %cond3A_33 = arith.cmpi ne, %convert_element_type3A_31, %cond3A_32 : i32
      scf.if %cond3A_33 {
        %dma_wait3A = arith.constant 0 : i32
        %dma_wait3A_75 = arith.constant 0 : i32
        %dma_wait3A_76 = tpu.memref_slice %arg13[%dma_wait3A, %dma_wait3A_75] : memref<10256x160xbf16, #tpu.memory_space<vmem_shared>> -> memref<10256x160xbf16, #tpu.memory_space<vmem_shared>>
        tpu.wait_indirect_dma semaphore(%arg16 : memref<!tpu.dma_semaphore, #tpu.memory_space<semaphore_mem>>) src(%arg11 : memref<128x160xbf16, #tpu.memory_space<vmem>>) dst(%dma_wait3A_76 : memref<10256x160xbf16, #tpu.memory_space<vmem_shared>>)
      } else {
      }
      %lt3A_34 = arith.constant 80 : i32
      %lt3A_35 = arith.cmpi slt, %add3A_29, %lt3A_34 : i32
      %convert_element_type3A_36 = arith.extui %lt3A_35 : i1 to i32
      %cond3A_37 = arith.constant 0 : i32
      %cond3A_38 = arith.cmpi ne, %convert_element_type3A_36, %cond3A_37 : i32
      scf.if %cond3A_38 {
        %mul3A_75 = arith.constant 128 : i32
        %mul3A_76 = arith.muli %add3A_29, %mul3A_75 : i32
        %add3A_77 = arith.addi %mul3A_2, %mul3A_76 : i32
        "tpu.region"() ({
          %run_scoped3A = tpu.sem_alloc : memref<!tpu.dma_semaphore, #tpu.memory_space<semaphore_mem>>
          %dma_start3A_80 = tpu.memref_slice %arg3[%add3A_77] : memref<327680xi32, #tpu.memory_space<hbm>> -> memref<128xi32, #tpu.memory_space<hbm>>
          %dma_start3A_81 = tpu.memref_slice %arg3[%add3A_77] : memref<327680xi32, #tpu.memory_space<hbm>> -> memref<128xi32, #tpu.memory_space<hbm>>
          tpu.enqueue_dma source(%dma_start3A_81 : memref<128xi32, #tpu.memory_space<hbm>>) target(%arg7 : memref<128xi32, #tpu.memory_space<vmem>>) target_semaphore(%run_scoped3A : memref<!tpu.dma_semaphore, #tpu.memory_space<semaphore_mem>>)
          %dma_wait3A = tpu.memref_slice %arg3[%add3A_77] : memref<327680xi32, #tpu.memory_space<hbm>> -> memref<128xi32, #tpu.memory_space<hbm>>
          %dma_wait3A_82 = tpu.memref_slice %arg3[%add3A_77] : memref<327680xi32, #tpu.memory_space<hbm>> -> memref<128xi32, #tpu.memory_space<hbm>>
          tpu.wait_dma2 semaphore(%run_scoped3A : memref<!tpu.dma_semaphore, #tpu.memory_space<semaphore_mem>>) src(%dma_wait3A_82 : memref<128xi32, #tpu.memory_space<hbm>>) dst(%arg7 : memref<128xi32, #tpu.memory_space<vmem>>)
          tpu.yield
        }) : () -> ()
        "tpu.region"() ({
          %run_scoped3A = tpu.sem_alloc : memref<!tpu.dma_semaphore, #tpu.memory_space<semaphore_mem>>
          %dma_start3A_80 = tpu.memref_slice %arg4[%add3A_77] : memref<327680xi32, #tpu.memory_space<hbm>> -> memref<128xi32, #tpu.memory_space<hbm>>
          %dma_start3A_81 = tpu.memref_slice %arg4[%add3A_77] : memref<327680xi32, #tpu.memory_space<hbm>> -> memref<128xi32, #tpu.memory_space<hbm>>
          tpu.enqueue_dma source(%dma_start3A_81 : memref<128xi32, #tpu.memory_space<hbm>>) target(%arg9 : memref<128xi32, #tpu.memory_space<vmem>>) target_semaphore(%run_scoped3A : memref<!tpu.dma_semaphore, #tpu.memory_space<semaphore_mem>>)
          %dma_wait3A = tpu.memref_slice %arg4[%add3A_77] : memref<327680xi32, #tpu.memory_space<hbm>> -> memref<128xi32, #tpu.memory_space<hbm>>
          %dma_wait3A_82 = tpu.memref_slice %arg4[%add3A_77] : memref<327680xi32, #tpu.memory_space<hbm>> -> memref<128xi32, #tpu.memory_space<hbm>>
          tpu.wait_dma2 semaphore(%run_scoped3A : memref<!tpu.dma_semaphore, #tpu.memory_space<semaphore_mem>>) src(%dma_wait3A_82 : memref<128xi32, #tpu.memory_space<hbm>>) dst(%arg9 : memref<128xi32, #tpu.memory_space<vmem>>)
          tpu.yield
        }) : () -> ()
        %dma_start3A = arith.constant 0 : i32
        %dma_start3A_78 = arith.constant 0 : i32
        %dma_start3A_79 = tpu.memref_slice %arg2[%dma_start3A, %dma_start3A_78] : memref<10000x160xbf16, #tpu.memory_space<hbm>> -> memref<10000x160xbf16, #tpu.memory_space<hbm>>
        tpu.enqueue_indirect_dma source(%dma_start3A_79 : memref<10000x160xbf16, #tpu.memory_space<hbm>>) target(%arg11 : memref<128x160xbf16, #tpu.memory_space<vmem>>) offsets(%arg7 : memref<128xi32, #tpu.memory_space<vmem>>) semaphore(%arg14 : memref<!tpu.dma_semaphore, #tpu.memory_space<semaphore_mem>>)
      } else {
      }
      %eq3A_39 = arith.constant 1 : i32
      %eq3A_40 = arith.cmpi eq, %add3A_29, %eq3A_39 : i32
      %convert_element_type3A_41 = arith.extui %eq3A_40 : i1 to i32
      %cond3A_42 = arith.constant 0 : i32
      %cond3A_43 = arith.cmpi ne, %convert_element_type3A_41, %cond3A_42 : i32
      scf.if %cond3A_43 {
        %lt3A_75 = arith.constant 15 : i32
        %lt3A_76 = arith.cmpi slt, %arg1, %lt3A_75 : i32
        %convert_element_type3A_77 = arith.extui %lt3A_76 : i1 to i32
        %cond3A_78 = arith.constant 0 : i32
        %cond3A_79 = arith.cmpi ne, %convert_element_type3A_77, %cond3A_78 : i32
        scf.if %cond3A_79 {
          %dma_wait3A = arith.constant 0 : i32
          %dma_wait3A_86 = tpu.memref_slice %arg13[%mul3A_4, %dma_wait3A] : memref<10256x160xbf16, #tpu.memory_space<vmem_shared>> -> memref<632x160xbf16, #tpu.memory_space<vmem_shared>>
          tpu.wait_dma2 semaphore(%arg18 : memref<!tpu.dma_semaphore, #tpu.memory_space<semaphore_mem>>) src(%arg5 : memref<632x160xbf16, #tpu.memory_space<hbm>>) dst(%dma_wait3A_86 : memref<632x160xbf16, #tpu.memory_space<vmem_shared>>)
        } else {
        }
        %eq3A_80 = arith.constant 15 : i32
        %eq3A_81 = arith.cmpi eq, %arg1, %eq3A_80 : i32
        %convert_element_type3A_82 = arith.extui %eq3A_81 : i1 to i32
        %cond3A_83 = arith.constant 0 : i32
        %cond3A_84 = arith.cmpi ne, %convert_element_type3A_82, %cond3A_83 : i32
        scf.if %cond3A_84 {
          %dma_wait3A = arith.constant 0 : i32
          %dma_wait3A_86 = tpu.memref_slice %arg13[%mul3A_4, %dma_wait3A] : memref<10256x160xbf16, #tpu.memory_space<vmem_shared>> -> memref<520x160xbf16, #tpu.memory_space<vmem_shared>>
          %dma_wait3A_87 = arith.constant 0 : i32
          %dma_wait3A_88 = arith.constant 0 : i32
          %dma_wait3A_89 = tpu.memref_slice %arg5[%dma_wait3A_87, %dma_wait3A_88] : memref<632x160xbf16, #tpu.memory_space<hbm>> -> memref<520x160xbf16, #tpu.memory_space<hbm>>
          tpu.wait_dma2 semaphore(%arg18 : memref<!tpu.dma_semaphore, #tpu.memory_space<semaphore_mem>>) src(%dma_wait3A_89 : memref<520x160xbf16, #tpu.memory_space<hbm>>) dst(%dma_wait3A_86 : memref<520x160xbf16, #tpu.memory_space<vmem_shared>>)
        } else {
        }
        %barrier3A_85 = arith.constant 0 : index
        tpu.barrier barrier_id(%barrier3A_85)
      } else {
      }
      %ge3A_44 = arith.constant 1 : i32
      %ge3A_45 = arith.cmpi sge, %add3A_29, %ge3A_44 : i32
      %le3A = arith.constant 80 : i32
      %le3A_46 = arith.cmpi sle, %add3A_29, %le3A : i32
      %and3A = arith.andi %ge3A_45, %le3A_46 : i1
      %convert_element_type3A_47 = arith.extui %and3A : i1 to i32
      %cond3A_48 = arith.constant 0 : i32
      %cond3A_49 = arith.cmpi ne, %convert_element_type3A_47, %cond3A_48 : i32
      scf.if %cond3A_49 {
        %dma_wait3A = arith.constant 0 : i32
        %dma_wait3A_75 = arith.constant 0 : i32
        %dma_wait3A_76 = tpu.memref_slice %arg2[%dma_wait3A, %dma_wait3A_75] : memref<10000x160xbf16, #tpu.memory_space<hbm>> -> memref<10000x160xbf16, #tpu.memory_space<hbm>>
        tpu.wait_indirect_dma semaphore(%arg15 : memref<!tpu.dma_semaphore, #tpu.memory_space<semaphore_mem>>) src(%dma_wait3A_76 : memref<10000x160xbf16, #tpu.memory_space<hbm>>) dst(%arg12 : memref<128x160xbf16, #tpu.memory_space<vmem>>)
        %dma_start3A = arith.constant 0 : i32
        %dma_start3A_77 = arith.constant 0 : i32
        %dma_start3A_78 = tpu.memref_slice %arg13[%dma_start3A, %dma_start3A_77] : memref<10256x160xbf16, #tpu.memory_space<vmem_shared>> -> memref<10256x160xbf16, #tpu.memory_space<vmem_shared>>
        tpu.enqueue_indirect_dma source(%arg12 : memref<128x160xbf16, #tpu.memory_space<vmem>>) target(%dma_start3A_78 : memref<10256x160xbf16, #tpu.memory_space<vmem_shared>>) offsets(%arg10 : memref<128xi32, #tpu.memory_space<vmem>>) semaphore(%arg17 : memref<!tpu.dma_semaphore, #tpu.memory_space<semaphore_mem>>) {add = true}
      } else {
      }
      %add3A_50 = arith.constant 1 : i32
      %add3A_51 = arith.addi %add3A_29, %add3A_50 : i32
      %ge3A_52 = arith.constant 2 : i32
      %ge3A_53 = arith.cmpi sge, %add3A_51, %ge3A_52 : i32
      %convert_element_type3A_54 = arith.extui %ge3A_53 : i1 to i32
      %cond3A_55 = arith.constant 0 : i32
      %cond3A_56 = arith.cmpi ne, %convert_element_type3A_54, %cond3A_55 : i32
      scf.if %cond3A_56 {
        %dma_wait3A = arith.constant 0 : i32
        %dma_wait3A_75 = arith.constant 0 : i32
        %dma_wait3A_76 = tpu.memref_slice %arg13[%dma_wait3A, %dma_wait3A_75] : memref<10256x160xbf16, #tpu.memory_space<vmem_shared>> -> memref<10256x160xbf16, #tpu.memory_space<vmem_shared>>
        tpu.wait_indirect_dma semaphore(%arg17 : memref<!tpu.dma_semaphore, #tpu.memory_space<semaphore_mem>>) src(%arg12 : memref<128x160xbf16, #tpu.memory_space<vmem>>) dst(%dma_wait3A_76 : memref<10256x160xbf16, #tpu.memory_space<vmem_shared>>)
      } else {
      }
      %lt3A_57 = arith.constant 80 : i32
      %lt3A_58 = arith.cmpi slt, %add3A_51, %lt3A_57 : i32
      %convert_element_type3A_59 = arith.extui %lt3A_58 : i1 to i32
      %cond3A_60 = arith.constant 0 : i32
      %cond3A_61 = arith.cmpi ne, %convert_element_type3A_59, %cond3A_60 : i32
      scf.if %cond3A_61 {
        %mul3A_75 = arith.constant 128 : i32
        %mul3A_76 = arith.muli %add3A_51, %mul3A_75 : i32
        %add3A_77 = arith.addi %mul3A_2, %mul3A_76 : i32
        "tpu.region"() ({
          %run_scoped3A = tpu.sem_alloc : memref<!tpu.dma_semaphore, #tpu.memory_space<semaphore_mem>>
          %dma_start3A_80 = tpu.memref_slice %arg3[%add3A_77] : memref<327680xi32, #tpu.memory_space<hbm>> -> memref<128xi32, #tpu.memory_space<hbm>>
          %dma_start3A_81 = tpu.memref_slice %arg3[%add3A_77] : memref<327680xi32, #tpu.memory_space<hbm>> -> memref<128xi32, #tpu.memory_space<hbm>>
          tpu.enqueue_dma source(%dma_start3A_81 : memref<128xi32, #tpu.memory_space<hbm>>) target(%arg8 : memref<128xi32, #tpu.memory_space<vmem>>) target_semaphore(%run_scoped3A : memref<!tpu.dma_semaphore, #tpu.memory_space<semaphore_mem>>)
          %dma_wait3A = tpu.memref_slice %arg3[%add3A_77] : memref<327680xi32, #tpu.memory_space<hbm>> -> memref<128xi32, #tpu.memory_space<hbm>>
          %dma_wait3A_82 = tpu.memref_slice %arg3[%add3A_77] : memref<327680xi32, #tpu.memory_space<hbm>> -> memref<128xi32, #tpu.memory_space<hbm>>
          tpu.wait_dma2 semaphore(%run_scoped3A : memref<!tpu.dma_semaphore, #tpu.memory_space<semaphore_mem>>) src(%dma_wait3A_82 : memref<128xi32, #tpu.memory_space<hbm>>) dst(%arg8 : memref<128xi32, #tpu.memory_space<vmem>>)
          tpu.yield
        }) : () -> ()
        "tpu.region"() ({
          %run_scoped3A = tpu.sem_alloc : memref<!tpu.dma_semaphore, #tpu.memory_space<semaphore_mem>>
          %dma_start3A_80 = tpu.memref_slice %arg4[%add3A_77] : memref<327680xi32, #tpu.memory_space<hbm>> -> memref<128xi32, #tpu.memory_space<hbm>>
          %dma_start3A_81 = tpu.memref_slice %arg4[%add3A_77] : memref<327680xi32, #tpu.memory_space<hbm>> -> memref<128xi32, #tpu.memory_space<hbm>>
          tpu.enqueue_dma source(%dma_start3A_81 : memref<128xi32, #tpu.memory_space<hbm>>) target(%arg10 : memref<128xi32, #tpu.memory_space<vmem>>) target_semaphore(%run_scoped3A : memref<!tpu.dma_semaphore, #tpu.memory_space<semaphore_mem>>)
          %dma_wait3A = tpu.memref_slice %arg4[%add3A_77] : memref<327680xi32, #tpu.memory_space<hbm>> -> memref<128xi32, #tpu.memory_space<hbm>>
          %dma_wait3A_82 = tpu.memref_slice %arg4[%add3A_77] : memref<327680xi32, #tpu.memory_space<hbm>> -> memref<128xi32, #tpu.memory_space<hbm>>
          tpu.wait_dma2 semaphore(%run_scoped3A : memref<!tpu.dma_semaphore, #tpu.memory_space<semaphore_mem>>) src(%dma_wait3A_82 : memref<128xi32, #tpu.memory_space<hbm>>) dst(%arg10 : memref<128xi32, #tpu.memory_space<vmem>>)
          tpu.yield
        }) : () -> ()
        %dma_start3A = arith.constant 0 : i32
        %dma_start3A_78 = arith.constant 0 : i32
        %dma_start3A_79 = tpu.memref_slice %arg2[%dma_start3A, %dma_start3A_78] : memref<10000x160xbf16, #tpu.memory_space<hbm>> -> memref<10000x160xbf16, #tpu.memory_space<hbm>>
        tpu.enqueue_indirect_dma source(%dma_start3A_79 : memref<10000x160xbf16, #tpu.memory_space<hbm>>) target(%arg12 : memref<128x160xbf16, #tpu.memory_space<vmem>>) offsets(%arg8 : memref<128xi32, #tpu.memory_space<vmem>>) semaphore(%arg15 : memref<!tpu.dma_semaphore, #tpu.memory_space<semaphore_mem>>)
      } else {
      }
      %eq3A_62 = arith.constant 1 : i32
      %eq3A_63 = arith.cmpi eq, %add3A_51, %eq3A_62 : i32
      %convert_element_type3A_64 = arith.extui %eq3A_63 : i1 to i32
      %cond3A_65 = arith.constant 0 : i32
      %cond3A_66 = arith.cmpi ne, %convert_element_type3A_64, %cond3A_65 : i32
      scf.if %cond3A_66 {
        %lt3A_75 = arith.constant 15 : i32
        %lt3A_76 = arith.cmpi slt, %arg1, %lt3A_75 : i32
        %convert_element_type3A_77 = arith.extui %lt3A_76 : i1 to i32
        %cond3A_78 = arith.constant 0 : i32
        %cond3A_79 = arith.cmpi ne, %convert_element_type3A_77, %cond3A_78 : i32
        scf.if %cond3A_79 {
          %dma_wait3A = arith.constant 0 : i32
          %dma_wait3A_86 = tpu.memref_slice %arg13[%mul3A_4, %dma_wait3A] : memref<10256x160xbf16, #tpu.memory_space<vmem_shared>> -> memref<632x160xbf16, #tpu.memory_space<vmem_shared>>
          tpu.wait_dma2 semaphore(%arg18 : memref<!tpu.dma_semaphore, #tpu.memory_space<semaphore_mem>>) src(%arg5 : memref<632x160xbf16, #tpu.memory_space<hbm>>) dst(%dma_wait3A_86 : memref<632x160xbf16, #tpu.memory_space<vmem_shared>>)
        } else {
        }
        %eq3A_80 = arith.constant 15 : i32
        %eq3A_81 = arith.cmpi eq, %arg1, %eq3A_80 : i32
        %convert_element_type3A_82 = arith.extui %eq3A_81 : i1 to i32
        %cond3A_83 = arith.constant 0 : i32
        %cond3A_84 = arith.cmpi ne, %convert_element_type3A_82, %cond3A_83 : i32
        scf.if %cond3A_84 {
          %dma_wait3A = arith.constant 0 : i32
          %dma_wait3A_86 = tpu.memref_slice %arg13[%mul3A_4, %dma_wait3A] : memref<10256x160xbf16, #tpu.memory_space<vmem_shared>> -> memref<520x160xbf16, #tpu.memory_space<vmem_shared>>
          %dma_wait3A_87 = arith.constant 0 : i32
          %dma_wait3A_88 = arith.constant 0 : i32
          %dma_wait3A_89 = tpu.memref_slice %arg5[%dma_wait3A_87, %dma_wait3A_88] : memref<632x160xbf16, #tpu.memory_space<hbm>> -> memref<520x160xbf16, #tpu.memory_space<hbm>>
          tpu.wait_dma2 semaphore(%arg18 : memref<!tpu.dma_semaphore, #tpu.memory_space<semaphore_mem>>) src(%dma_wait3A_89 : memref<520x160xbf16, #tpu.memory_space<hbm>>) dst(%dma_wait3A_86 : memref<520x160xbf16, #tpu.memory_space<vmem_shared>>)
        } else {
        }
        %barrier3A_85 = arith.constant 0 : index
        tpu.barrier barrier_id(%barrier3A_85)
      } else {
      }
      %ge3A_67 = arith.constant 1 : i32
      %ge3A_68 = arith.cmpi sge, %add3A_51, %ge3A_67 : i32
      %le3A_69 = arith.constant 80 : i32
      %le3A_70 = arith.cmpi sle, %add3A_51, %le3A_69 : i32
      %and3A_71 = arith.andi %ge3A_68, %le3A_70 : i1
      %convert_element_type3A_72 = arith.extui %and3A_71 : i1 to i32
      %cond3A_73 = arith.constant 0 : i32
      %cond3A_74 = arith.cmpi ne, %convert_element_type3A_72, %cond3A_73 : i32
      scf.if %cond3A_74 {
        %dma_wait3A = arith.constant 0 : i32
        %dma_wait3A_75 = arith.constant 0 : i32
        %dma_wait3A_76 = tpu.memref_slice %arg2[%dma_wait3A, %dma_wait3A_75] : memref<10000x160xbf16, #tpu.memory_space<hbm>> -> memref<10000x160xbf16, #tpu.memory_space<hbm>>
        tpu.wait_indirect_dma semaphore(%arg14 : memref<!tpu.dma_semaphore, #tpu.memory_space<semaphore_mem>>) src(%dma_wait3A_76 : memref<10000x160xbf16, #tpu.memory_space<hbm>>) dst(%arg11 : memref<128x160xbf16, #tpu.memory_space<vmem>>)
        %dma_start3A = arith.constant 0 : i32
        %dma_start3A_77 = arith.constant 0 : i32
        %dma_start3A_78 = tpu.memref_slice %arg13[%dma_start3A, %dma_start3A_77] : memref<10256x160xbf16, #tpu.memory_space<vmem_shared>> -> memref<10256x160xbf16, #tpu.memory_space<vmem_shared>>
        tpu.enqueue_indirect_dma source(%arg11 : memref<128x160xbf16, #tpu.memory_space<vmem>>) target(%dma_start3A_78 : memref<10256x160xbf16, #tpu.memory_space<vmem_shared>>) offsets(%arg9 : memref<128xi32, #tpu.memory_space<vmem>>) semaphore(%arg16 : memref<!tpu.dma_semaphore, #tpu.memory_space<semaphore_mem>>) {add = true}
      } else {
      }
    }
    %scan3A_14 = arith.constant 41 : i32
    %barrier3A = arith.constant 0 : index
    tpu.barrier barrier_id(%barrier3A)
    %lt3A_15 = arith.constant 15 : i32
    %lt3A_16 = arith.cmpi slt, %arg1, %lt3A_15 : i32
    %convert_element_type3A_17 = arith.extui %lt3A_16 : i1 to i32
    %cond3A_18 = arith.constant 0 : i32
    %cond3A_19 = arith.cmpi ne, %convert_element_type3A_17, %cond3A_18 : i32
    scf.if %cond3A_19 {
      "tpu.region"() ({
        %run_scoped3A = tpu.sem_alloc : memref<!tpu.dma_semaphore, #tpu.memory_space<semaphore_mem>>
        %dma_start3A = arith.constant 0 : i32
        %dma_start3A_25 = tpu.memref_slice %arg6[%arg0, %mul3A_4, %dma_start3A] : memref<2x10000x160xbf16, #tpu.memory_space<hbm>> -> memref<1x632x160xbf16, #tpu.memory_space<hbm>>
        %dma_start3A_26 = tpu.memref_squeeze %dma_start3A_25 : memref<1x632x160xbf16, #tpu.memory_space<hbm>> -> memref<632x160xbf16, #tpu.memory_space<hbm>>
        %dma_start3A_27 = arith.constant 0 : i32
        %dma_start3A_28 = tpu.memref_slice %arg13[%mul3A_4, %dma_start3A_27] : memref<10256x160xbf16, #tpu.memory_space<vmem_shared>> -> memref<632x160xbf16, #tpu.memory_space<vmem_shared>>
        tpu.enqueue_dma source(%dma_start3A_28 : memref<632x160xbf16, #tpu.memory_space<vmem_shared>>) target(%dma_start3A_26 : memref<632x160xbf16, #tpu.memory_space<hbm>>) target_semaphore(%run_scoped3A : memref<!tpu.dma_semaphore, #tpu.memory_space<semaphore_mem>>)
        %dma_wait3A = arith.constant 0 : i32
        %dma_wait3A_29 = tpu.memref_slice %arg6[%arg0, %mul3A_4, %dma_wait3A] : memref<2x10000x160xbf16, #tpu.memory_space<hbm>> -> memref<1x632x160xbf16, #tpu.memory_space<hbm>>
        %dma_wait3A_30 = tpu.memref_squeeze %dma_wait3A_29 : memref<1x632x160xbf16, #tpu.memory_space<hbm>> -> memref<632x160xbf16, #tpu.memory_space<hbm>>
        %dma_wait3A_31 = arith.constant 0 : i32
        %dma_wait3A_32 = tpu.memref_slice %arg13[%mul3A_4, %dma_wait3A_31] : memref<10256x160xbf16, #tpu.memory_space<vmem_shared>> -> memref<632x160xbf16, #tpu.memory_space<vmem_shared>>
        tpu.wait_dma2 semaphore(%run_scoped3A : memref<!tpu.dma_semaphore, #tpu.memory_space<semaphore_mem>>) src(%dma_wait3A_32 : memref<632x160xbf16, #tpu.memory_space<vmem_shared>>) dst(%dma_wait3A_30 : memref<632x160xbf16, #tpu.memory_space<hbm>>)
        tpu.yield
      }) : () -> ()
    } else {
    }
    %eq3A_20 = arith.constant 15 : i32
    %eq3A_21 = arith.cmpi eq, %arg1, %eq3A_20 : i32
    %convert_element_type3A_22 = arith.extui %eq3A_21 : i1 to i32
    %cond3A_23 = arith.constant 0 : i32
    %cond3A_24 = arith.cmpi ne, %convert_element_type3A_22, %cond3A_23 : i32
    scf.if %cond3A_24 {
      "tpu.region"() ({
        %run_scoped3A = tpu.sem_alloc : memref<!tpu.dma_semaphore, #tpu.memory_space<semaphore_mem>>
        %dma_start3A = arith.constant 0 : i32
        %dma_start3A_25 = tpu.memref_slice %arg6[%arg0, %mul3A_4, %dma_start3A] : memref<2x10000x160xbf16, #tpu.memory_space<hbm>> -> memref<1x520x160xbf16, #tpu.memory_space<hbm>>
        %dma_start3A_26 = tpu.memref_squeeze %dma_start3A_25 : memref<1x520x160xbf16, #tpu.memory_space<hbm>> -> memref<520x160xbf16, #tpu.memory_space<hbm>>
        %dma_start3A_27 = arith.constant 0 : i32
        %dma_start3A_28 = tpu.memref_slice %arg13[%mul3A_4, %dma_start3A_27] : memref<10256x160xbf16, #tpu.memory_space<vmem_shared>> -> memref<520x160xbf16, #tpu.memory_space<vmem_shared>>
        tpu.enqueue_dma source(%dma_start3A_28 : memref<520x160xbf16, #tpu.memory_space<vmem_shared>>) target(%dma_start3A_26 : memref<520x160xbf16, #tpu.memory_space<hbm>>) target_semaphore(%run_scoped3A : memref<!tpu.dma_semaphore, #tpu.memory_space<semaphore_mem>>)
        %dma_wait3A = arith.constant 0 : i32
        %dma_wait3A_29 = tpu.memref_slice %arg6[%arg0, %mul3A_4, %dma_wait3A] : memref<2x10000x160xbf16, #tpu.memory_space<hbm>> -> memref<1x520x160xbf16, #tpu.memory_space<hbm>>
        %dma_wait3A_30 = tpu.memref_squeeze %dma_wait3A_29 : memref<1x520x160xbf16, #tpu.memory_space<hbm>> -> memref<520x160xbf16, #tpu.memory_space<hbm>>
        %dma_wait3A_31 = arith.constant 0 : i32
        %dma_wait3A_32 = tpu.memref_slice %arg13[%mul3A_4, %dma_wait3A_31] : memref<10256x160xbf16, #tpu.memory_space<vmem_shared>> -> memref<520x160xbf16, #tpu.memory_space<vmem_shared>>
        tpu.wait_dma2 semaphore(%run_scoped3A : memref<!tpu.dma_semaphore, #tpu.memory_space<semaphore_mem>>) src(%dma_wait3A_32 : memref<520x160xbf16, #tpu.memory_space<vmem_shared>>) dst(%dma_wait3A_30 : memref<520x160xbf16, #tpu.memory_space<hbm>>)
        tpu.yield
      }) : () -> ()
    } else {
    }
    return
  }
}

#map = affine_map<(d0, d1) -> (0, 0)>
#map1 = affine_map<(d0, d1) -> (0)>
#map2 = affine_map<(d0, d1) -> (0, 0, 0)>
module attributes {stable_mosaic.version = 14 : i64} {
  func.func @agg_kernel(%arg0: i32, %arg1: i32, %arg2: memref<10000x48xf32, #tpu.memory_space<hbm>>, %arg3: memref<327680xi32, #tpu.memory_space<hbm>>, %arg4: memref<327680xi32, #tpu.memory_space<hbm>>, %arg5: memref<632x48xf32, #tpu.memory_space<hbm>>, %arg6: memref<2x10000x48xf32, #tpu.memory_space<hbm>>, %arg7: memref<128xi32, #tpu.memory_space<vmem>>, %arg8: memref<128xi32, #tpu.memory_space<vmem>>, %arg9: memref<128xi32, #tpu.memory_space<vmem>>, %arg10: memref<128xi32, #tpu.memory_space<vmem>>, %arg11: memref<128x48xf32, #tpu.memory_space<vmem>>, %arg12: memref<128x48xf32, #tpu.memory_space<vmem>>, %arg13: memref<10256x48xf32, #tpu.memory_space<vmem_shared>>, %arg14: memref<!tpu.dma_semaphore, #tpu.memory_space<semaphore_mem>>, %arg15: memref<!tpu.dma_semaphore, #tpu.memory_space<semaphore_mem>>, %arg16: memref<!tpu.dma_semaphore, #tpu.memory_space<semaphore_mem>>, %arg17: memref<!tpu.dma_semaphore, #tpu.memory_space<semaphore_mem>>, %arg18: memref<!tpu.dma_semaphore, #tpu.memory_space<semaphore_mem>>) attributes {dimension_semantics = [#tpu.dimension_semantics<core_parallel>, #tpu.dimension_semantics<subcore_parallel>], iteration_bounds = array<i64: 2, 16>, scalar_prefetch = 0 : i64, scratch_operands = 12 : i64, tpu.core_type = #tpu.core_type<sc_vector_subcore>, window_params = [{transform_indices = #map}, {transform_indices = #map1}, {transform_indices = #map1}, {transform_indices = #map}, {transform_indices = #map2}]} {
    %mul3A = arith.constant 16 : i32
    %mul3A_0 = arith.muli %arg0, %mul3A : i32
    %add3A = arith.addi %mul3A_0, %arg1 : i32
    %mul3A_1 = arith.constant 10240 : i32
    %mul3A_2 = arith.muli %add3A, %mul3A_1 : i32
    %mul3A_3 = arith.constant 632 : i32
    %mul3A_4 = arith.muli %arg1, %mul3A_3 : i32
    %lt3A = arith.constant 15 : i32
    %lt3A_5 = arith.cmpi slt, %arg1, %lt3A : i32
    %convert_element_type3A = arith.extui %lt3A_5 : i1 to i32
    %cond3A = arith.constant 0 : i32
    %cond3A_6 = arith.cmpi ne, %convert_element_type3A, %cond3A : i32
    scf.if %cond3A_6 {
      %dma_start3A = arith.constant 0 : i32
      %dma_start3A_25 = tpu.memref_slice %arg13[%mul3A_4, %dma_start3A] : memref<10256x48xf32, #tpu.memory_space<vmem_shared>> -> memref<632x48xf32, #tpu.memory_space<vmem_shared>>
      tpu.enqueue_dma source(%arg5 : memref<632x48xf32, #tpu.memory_space<hbm>>) target(%dma_start3A_25 : memref<632x48xf32, #tpu.memory_space<vmem_shared>>) target_semaphore(%arg18 : memref<!tpu.dma_semaphore, #tpu.memory_space<semaphore_mem>>)
    } else {
    }
    %eq3A = arith.constant 15 : i32
    %eq3A_7 = arith.cmpi eq, %arg1, %eq3A : i32
    %convert_element_type3A_8 = arith.extui %eq3A_7 : i1 to i32
    %cond3A_9 = arith.constant 0 : i32
    %cond3A_10 = arith.cmpi ne, %convert_element_type3A_8, %cond3A_9 : i32
    scf.if %cond3A_10 {
      %dma_start3A = arith.constant 0 : i32
      %dma_start3A_25 = tpu.memref_slice %arg13[%mul3A_4, %dma_start3A] : memref<10256x48xf32, #tpu.memory_space<vmem_shared>> -> memref<520x48xf32, #tpu.memory_space<vmem_shared>>
      %dma_start3A_26 = arith.constant 0 : i32
      %dma_start3A_27 = arith.constant 0 : i32
      %dma_start3A_28 = tpu.memref_slice %arg5[%dma_start3A_26, %dma_start3A_27] : memref<632x48xf32, #tpu.memory_space<hbm>> -> memref<520x48xf32, #tpu.memory_space<hbm>>
      tpu.enqueue_dma source(%dma_start3A_28 : memref<520x48xf32, #tpu.memory_space<hbm>>) target(%dma_start3A_25 : memref<520x48xf32, #tpu.memory_space<vmem_shared>>) target_semaphore(%arg18 : memref<!tpu.dma_semaphore, #tpu.memory_space<semaphore_mem>>)
    } else {
    }
    %scan3A = arith.constant 0 : i32
    %scan3A_11 = arith.constant 41 : i32
    %scan3A_12 = arith.addi %scan3A, %scan3A_11 : i32
    %scan3A_13 = arith.constant 1 : i32
    scf.for %scan3A_25 = %scan3A to %scan3A_12 step %scan3A_13  : i32 {
      %mul3A_26 = arith.constant 2 : i32
      %mul3A_27 = arith.muli %scan3A_25, %mul3A_26 : i32
      %add3A_28 = arith.constant 0 : i32
      %add3A_29 = arith.addi %add3A_28, %mul3A_27 : i32
      %ge3A = arith.constant 2 : i32
      %ge3A_30 = arith.cmpi sge, %add3A_29, %ge3A : i32
      %convert_element_type3A_31 = arith.extui %ge3A_30 : i1 to i32
      %cond3A_32 = arith.constant 0 : i32
      %cond3A_33 = arith.cmpi ne, %convert_element_type3A_31, %cond3A_32 : i32
      scf.if %cond3A_33 {
        %dma_wait3A = arith.constant 0 : i32
        %dma_wait3A_75 = arith.constant 0 : i32
        %dma_wait3A_76 = tpu.memref_slice %arg13[%dma_wait3A, %dma_wait3A_75] : memref<10256x48xf32, #tpu.memory_space<vmem_shared>> -> memref<10256x48xf32, #tpu.memory_space<vmem_shared>>
        tpu.wait_indirect_dma semaphore(%arg16 : memref<!tpu.dma_semaphore, #tpu.memory_space<semaphore_mem>>) src(%arg11 : memref<128x48xf32, #tpu.memory_space<vmem>>) dst(%dma_wait3A_76 : memref<10256x48xf32, #tpu.memory_space<vmem_shared>>)
      } else {
      }
      %lt3A_34 = arith.constant 80 : i32
      %lt3A_35 = arith.cmpi slt, %add3A_29, %lt3A_34 : i32
      %convert_element_type3A_36 = arith.extui %lt3A_35 : i1 to i32
      %cond3A_37 = arith.constant 0 : i32
      %cond3A_38 = arith.cmpi ne, %convert_element_type3A_36, %cond3A_37 : i32
      scf.if %cond3A_38 {
        %mul3A_75 = arith.constant 128 : i32
        %mul3A_76 = arith.muli %add3A_29, %mul3A_75 : i32
        %add3A_77 = arith.addi %mul3A_2, %mul3A_76 : i32
        "tpu.region"() ({
          %run_scoped3A = tpu.sem_alloc : memref<!tpu.dma_semaphore, #tpu.memory_space<semaphore_mem>>
          %dma_start3A_80 = tpu.memref_slice %arg3[%add3A_77] : memref<327680xi32, #tpu.memory_space<hbm>> -> memref<128xi32, #tpu.memory_space<hbm>>
          %dma_start3A_81 = tpu.memref_slice %arg3[%add3A_77] : memref<327680xi32, #tpu.memory_space<hbm>> -> memref<128xi32, #tpu.memory_space<hbm>>
          tpu.enqueue_dma source(%dma_start3A_81 : memref<128xi32, #tpu.memory_space<hbm>>) target(%arg7 : memref<128xi32, #tpu.memory_space<vmem>>) target_semaphore(%run_scoped3A : memref<!tpu.dma_semaphore, #tpu.memory_space<semaphore_mem>>)
          %dma_wait3A = tpu.memref_slice %arg3[%add3A_77] : memref<327680xi32, #tpu.memory_space<hbm>> -> memref<128xi32, #tpu.memory_space<hbm>>
          %dma_wait3A_82 = tpu.memref_slice %arg3[%add3A_77] : memref<327680xi32, #tpu.memory_space<hbm>> -> memref<128xi32, #tpu.memory_space<hbm>>
          tpu.wait_dma2 semaphore(%run_scoped3A : memref<!tpu.dma_semaphore, #tpu.memory_space<semaphore_mem>>) src(%dma_wait3A_82 : memref<128xi32, #tpu.memory_space<hbm>>) dst(%arg7 : memref<128xi32, #tpu.memory_space<vmem>>)
          tpu.yield
        }) : () -> ()
        "tpu.region"() ({
          %run_scoped3A = tpu.sem_alloc : memref<!tpu.dma_semaphore, #tpu.memory_space<semaphore_mem>>
          %dma_start3A_80 = tpu.memref_slice %arg4[%add3A_77] : memref<327680xi32, #tpu.memory_space<hbm>> -> memref<128xi32, #tpu.memory_space<hbm>>
          %dma_start3A_81 = tpu.memref_slice %arg4[%add3A_77] : memref<327680xi32, #tpu.memory_space<hbm>> -> memref<128xi32, #tpu.memory_space<hbm>>
          tpu.enqueue_dma source(%dma_start3A_81 : memref<128xi32, #tpu.memory_space<hbm>>) target(%arg9 : memref<128xi32, #tpu.memory_space<vmem>>) target_semaphore(%run_scoped3A : memref<!tpu.dma_semaphore, #tpu.memory_space<semaphore_mem>>)
          %dma_wait3A = tpu.memref_slice %arg4[%add3A_77] : memref<327680xi32, #tpu.memory_space<hbm>> -> memref<128xi32, #tpu.memory_space<hbm>>
          %dma_wait3A_82 = tpu.memref_slice %arg4[%add3A_77] : memref<327680xi32, #tpu.memory_space<hbm>> -> memref<128xi32, #tpu.memory_space<hbm>>
          tpu.wait_dma2 semaphore(%run_scoped3A : memref<!tpu.dma_semaphore, #tpu.memory_space<semaphore_mem>>) src(%dma_wait3A_82 : memref<128xi32, #tpu.memory_space<hbm>>) dst(%arg9 : memref<128xi32, #tpu.memory_space<vmem>>)
          tpu.yield
        }) : () -> ()
        %dma_start3A = arith.constant 0 : i32
        %dma_start3A_78 = arith.constant 0 : i32
        %dma_start3A_79 = tpu.memref_slice %arg2[%dma_start3A, %dma_start3A_78] : memref<10000x48xf32, #tpu.memory_space<hbm>> -> memref<10000x48xf32, #tpu.memory_space<hbm>>
        tpu.enqueue_indirect_dma source(%dma_start3A_79 : memref<10000x48xf32, #tpu.memory_space<hbm>>) target(%arg11 : memref<128x48xf32, #tpu.memory_space<vmem>>) offsets(%arg7 : memref<128xi32, #tpu.memory_space<vmem>>) semaphore(%arg14 : memref<!tpu.dma_semaphore, #tpu.memory_space<semaphore_mem>>)
      } else {
      }
      %eq3A_39 = arith.constant 1 : i32
      %eq3A_40 = arith.cmpi eq, %add3A_29, %eq3A_39 : i32
      %convert_element_type3A_41 = arith.extui %eq3A_40 : i1 to i32
      %cond3A_42 = arith.constant 0 : i32
      %cond3A_43 = arith.cmpi ne, %convert_element_type3A_41, %cond3A_42 : i32
      scf.if %cond3A_43 {
        %lt3A_75 = arith.constant 15 : i32
        %lt3A_76 = arith.cmpi slt, %arg1, %lt3A_75 : i32
        %convert_element_type3A_77 = arith.extui %lt3A_76 : i1 to i32
        %cond3A_78 = arith.constant 0 : i32
        %cond3A_79 = arith.cmpi ne, %convert_element_type3A_77, %cond3A_78 : i32
        scf.if %cond3A_79 {
          %dma_wait3A = arith.constant 0 : i32
          %dma_wait3A_86 = tpu.memref_slice %arg13[%mul3A_4, %dma_wait3A] : memref<10256x48xf32, #tpu.memory_space<vmem_shared>> -> memref<632x48xf32, #tpu.memory_space<vmem_shared>>
          tpu.wait_dma2 semaphore(%arg18 : memref<!tpu.dma_semaphore, #tpu.memory_space<semaphore_mem>>) src(%arg5 : memref<632x48xf32, #tpu.memory_space<hbm>>) dst(%dma_wait3A_86 : memref<632x48xf32, #tpu.memory_space<vmem_shared>>)
        } else {
        }
        %eq3A_80 = arith.constant 15 : i32
        %eq3A_81 = arith.cmpi eq, %arg1, %eq3A_80 : i32
        %convert_element_type3A_82 = arith.extui %eq3A_81 : i1 to i32
        %cond3A_83 = arith.constant 0 : i32
        %cond3A_84 = arith.cmpi ne, %convert_element_type3A_82, %cond3A_83 : i32
        scf.if %cond3A_84 {
          %dma_wait3A = arith.constant 0 : i32
          %dma_wait3A_86 = tpu.memref_slice %arg13[%mul3A_4, %dma_wait3A] : memref<10256x48xf32, #tpu.memory_space<vmem_shared>> -> memref<520x48xf32, #tpu.memory_space<vmem_shared>>
          %dma_wait3A_87 = arith.constant 0 : i32
          %dma_wait3A_88 = arith.constant 0 : i32
          %dma_wait3A_89 = tpu.memref_slice %arg5[%dma_wait3A_87, %dma_wait3A_88] : memref<632x48xf32, #tpu.memory_space<hbm>> -> memref<520x48xf32, #tpu.memory_space<hbm>>
          tpu.wait_dma2 semaphore(%arg18 : memref<!tpu.dma_semaphore, #tpu.memory_space<semaphore_mem>>) src(%dma_wait3A_89 : memref<520x48xf32, #tpu.memory_space<hbm>>) dst(%dma_wait3A_86 : memref<520x48xf32, #tpu.memory_space<vmem_shared>>)
        } else {
        }
        %barrier3A_85 = arith.constant 0 : index
        tpu.barrier barrier_id(%barrier3A_85)
      } else {
      }
      %ge3A_44 = arith.constant 1 : i32
      %ge3A_45 = arith.cmpi sge, %add3A_29, %ge3A_44 : i32
      %le3A = arith.constant 80 : i32
      %le3A_46 = arith.cmpi sle, %add3A_29, %le3A : i32
      %and3A = arith.andi %ge3A_45, %le3A_46 : i1
      %convert_element_type3A_47 = arith.extui %and3A : i1 to i32
      %cond3A_48 = arith.constant 0 : i32
      %cond3A_49 = arith.cmpi ne, %convert_element_type3A_47, %cond3A_48 : i32
      scf.if %cond3A_49 {
        %dma_wait3A = arith.constant 0 : i32
        %dma_wait3A_75 = arith.constant 0 : i32
        %dma_wait3A_76 = tpu.memref_slice %arg2[%dma_wait3A, %dma_wait3A_75] : memref<10000x48xf32, #tpu.memory_space<hbm>> -> memref<10000x48xf32, #tpu.memory_space<hbm>>
        tpu.wait_indirect_dma semaphore(%arg15 : memref<!tpu.dma_semaphore, #tpu.memory_space<semaphore_mem>>) src(%dma_wait3A_76 : memref<10000x48xf32, #tpu.memory_space<hbm>>) dst(%arg12 : memref<128x48xf32, #tpu.memory_space<vmem>>)
        %dma_start3A = arith.constant 0 : i32
        %dma_start3A_77 = arith.constant 0 : i32
        %dma_start3A_78 = tpu.memref_slice %arg13[%dma_start3A, %dma_start3A_77] : memref<10256x48xf32, #tpu.memory_space<vmem_shared>> -> memref<10256x48xf32, #tpu.memory_space<vmem_shared>>
        tpu.enqueue_indirect_dma source(%arg12 : memref<128x48xf32, #tpu.memory_space<vmem>>) target(%dma_start3A_78 : memref<10256x48xf32, #tpu.memory_space<vmem_shared>>) offsets(%arg10 : memref<128xi32, #tpu.memory_space<vmem>>) semaphore(%arg17 : memref<!tpu.dma_semaphore, #tpu.memory_space<semaphore_mem>>) {add = true}
      } else {
      }
      %add3A_50 = arith.constant 1 : i32
      %add3A_51 = arith.addi %add3A_29, %add3A_50 : i32
      %ge3A_52 = arith.constant 2 : i32
      %ge3A_53 = arith.cmpi sge, %add3A_51, %ge3A_52 : i32
      %convert_element_type3A_54 = arith.extui %ge3A_53 : i1 to i32
      %cond3A_55 = arith.constant 0 : i32
      %cond3A_56 = arith.cmpi ne, %convert_element_type3A_54, %cond3A_55 : i32
      scf.if %cond3A_56 {
        %dma_wait3A = arith.constant 0 : i32
        %dma_wait3A_75 = arith.constant 0 : i32
        %dma_wait3A_76 = tpu.memref_slice %arg13[%dma_wait3A, %dma_wait3A_75] : memref<10256x48xf32, #tpu.memory_space<vmem_shared>> -> memref<10256x48xf32, #tpu.memory_space<vmem_shared>>
        tpu.wait_indirect_dma semaphore(%arg17 : memref<!tpu.dma_semaphore, #tpu.memory_space<semaphore_mem>>) src(%arg12 : memref<128x48xf32, #tpu.memory_space<vmem>>) dst(%dma_wait3A_76 : memref<10256x48xf32, #tpu.memory_space<vmem_shared>>)
      } else {
      }
      %lt3A_57 = arith.constant 80 : i32
      %lt3A_58 = arith.cmpi slt, %add3A_51, %lt3A_57 : i32
      %convert_element_type3A_59 = arith.extui %lt3A_58 : i1 to i32
      %cond3A_60 = arith.constant 0 : i32
      %cond3A_61 = arith.cmpi ne, %convert_element_type3A_59, %cond3A_60 : i32
      scf.if %cond3A_61 {
        %mul3A_75 = arith.constant 128 : i32
        %mul3A_76 = arith.muli %add3A_51, %mul3A_75 : i32
        %add3A_77 = arith.addi %mul3A_2, %mul3A_76 : i32
        "tpu.region"() ({
          %run_scoped3A = tpu.sem_alloc : memref<!tpu.dma_semaphore, #tpu.memory_space<semaphore_mem>>
          %dma_start3A_80 = tpu.memref_slice %arg3[%add3A_77] : memref<327680xi32, #tpu.memory_space<hbm>> -> memref<128xi32, #tpu.memory_space<hbm>>
          %dma_start3A_81 = tpu.memref_slice %arg3[%add3A_77] : memref<327680xi32, #tpu.memory_space<hbm>> -> memref<128xi32, #tpu.memory_space<hbm>>
          tpu.enqueue_dma source(%dma_start3A_81 : memref<128xi32, #tpu.memory_space<hbm>>) target(%arg8 : memref<128xi32, #tpu.memory_space<vmem>>) target_semaphore(%run_scoped3A : memref<!tpu.dma_semaphore, #tpu.memory_space<semaphore_mem>>)
          %dma_wait3A = tpu.memref_slice %arg3[%add3A_77] : memref<327680xi32, #tpu.memory_space<hbm>> -> memref<128xi32, #tpu.memory_space<hbm>>
          %dma_wait3A_82 = tpu.memref_slice %arg3[%add3A_77] : memref<327680xi32, #tpu.memory_space<hbm>> -> memref<128xi32, #tpu.memory_space<hbm>>
          tpu.wait_dma2 semaphore(%run_scoped3A : memref<!tpu.dma_semaphore, #tpu.memory_space<semaphore_mem>>) src(%dma_wait3A_82 : memref<128xi32, #tpu.memory_space<hbm>>) dst(%arg8 : memref<128xi32, #tpu.memory_space<vmem>>)
          tpu.yield
        }) : () -> ()
        "tpu.region"() ({
          %run_scoped3A = tpu.sem_alloc : memref<!tpu.dma_semaphore, #tpu.memory_space<semaphore_mem>>
          %dma_start3A_80 = tpu.memref_slice %arg4[%add3A_77] : memref<327680xi32, #tpu.memory_space<hbm>> -> memref<128xi32, #tpu.memory_space<hbm>>
          %dma_start3A_81 = tpu.memref_slice %arg4[%add3A_77] : memref<327680xi32, #tpu.memory_space<hbm>> -> memref<128xi32, #tpu.memory_space<hbm>>
          tpu.enqueue_dma source(%dma_start3A_81 : memref<128xi32, #tpu.memory_space<hbm>>) target(%arg10 : memref<128xi32, #tpu.memory_space<vmem>>) target_semaphore(%run_scoped3A : memref<!tpu.dma_semaphore, #tpu.memory_space<semaphore_mem>>)
          %dma_wait3A = tpu.memref_slice %arg4[%add3A_77] : memref<327680xi32, #tpu.memory_space<hbm>> -> memref<128xi32, #tpu.memory_space<hbm>>
          %dma_wait3A_82 = tpu.memref_slice %arg4[%add3A_77] : memref<327680xi32, #tpu.memory_space<hbm>> -> memref<128xi32, #tpu.memory_space<hbm>>
          tpu.wait_dma2 semaphore(%run_scoped3A : memref<!tpu.dma_semaphore, #tpu.memory_space<semaphore_mem>>) src(%dma_wait3A_82 : memref<128xi32, #tpu.memory_space<hbm>>) dst(%arg10 : memref<128xi32, #tpu.memory_space<vmem>>)
          tpu.yield
        }) : () -> ()
        %dma_start3A = arith.constant 0 : i32
        %dma_start3A_78 = arith.constant 0 : i32
        %dma_start3A_79 = tpu.memref_slice %arg2[%dma_start3A, %dma_start3A_78] : memref<10000x48xf32, #tpu.memory_space<hbm>> -> memref<10000x48xf32, #tpu.memory_space<hbm>>
        tpu.enqueue_indirect_dma source(%dma_start3A_79 : memref<10000x48xf32, #tpu.memory_space<hbm>>) target(%arg12 : memref<128x48xf32, #tpu.memory_space<vmem>>) offsets(%arg8 : memref<128xi32, #tpu.memory_space<vmem>>) semaphore(%arg15 : memref<!tpu.dma_semaphore, #tpu.memory_space<semaphore_mem>>)
      } else {
      }
      %eq3A_62 = arith.constant 1 : i32
      %eq3A_63 = arith.cmpi eq, %add3A_51, %eq3A_62 : i32
      %convert_element_type3A_64 = arith.extui %eq3A_63 : i1 to i32
      %cond3A_65 = arith.constant 0 : i32
      %cond3A_66 = arith.cmpi ne, %convert_element_type3A_64, %cond3A_65 : i32
      scf.if %cond3A_66 {
        %lt3A_75 = arith.constant 15 : i32
        %lt3A_76 = arith.cmpi slt, %arg1, %lt3A_75 : i32
        %convert_element_type3A_77 = arith.extui %lt3A_76 : i1 to i32
        %cond3A_78 = arith.constant 0 : i32
        %cond3A_79 = arith.cmpi ne, %convert_element_type3A_77, %cond3A_78 : i32
        scf.if %cond3A_79 {
          %dma_wait3A = arith.constant 0 : i32
          %dma_wait3A_86 = tpu.memref_slice %arg13[%mul3A_4, %dma_wait3A] : memref<10256x48xf32, #tpu.memory_space<vmem_shared>> -> memref<632x48xf32, #tpu.memory_space<vmem_shared>>
          tpu.wait_dma2 semaphore(%arg18 : memref<!tpu.dma_semaphore, #tpu.memory_space<semaphore_mem>>) src(%arg5 : memref<632x48xf32, #tpu.memory_space<hbm>>) dst(%dma_wait3A_86 : memref<632x48xf32, #tpu.memory_space<vmem_shared>>)
        } else {
        }
        %eq3A_80 = arith.constant 15 : i32
        %eq3A_81 = arith.cmpi eq, %arg1, %eq3A_80 : i32
        %convert_element_type3A_82 = arith.extui %eq3A_81 : i1 to i32
        %cond3A_83 = arith.constant 0 : i32
        %cond3A_84 = arith.cmpi ne, %convert_element_type3A_82, %cond3A_83 : i32
        scf.if %cond3A_84 {
          %dma_wait3A = arith.constant 0 : i32
          %dma_wait3A_86 = tpu.memref_slice %arg13[%mul3A_4, %dma_wait3A] : memref<10256x48xf32, #tpu.memory_space<vmem_shared>> -> memref<520x48xf32, #tpu.memory_space<vmem_shared>>
          %dma_wait3A_87 = arith.constant 0 : i32
          %dma_wait3A_88 = arith.constant 0 : i32
          %dma_wait3A_89 = tpu.memref_slice %arg5[%dma_wait3A_87, %dma_wait3A_88] : memref<632x48xf32, #tpu.memory_space<hbm>> -> memref<520x48xf32, #tpu.memory_space<hbm>>
          tpu.wait_dma2 semaphore(%arg18 : memref<!tpu.dma_semaphore, #tpu.memory_space<semaphore_mem>>) src(%dma_wait3A_89 : memref<520x48xf32, #tpu.memory_space<hbm>>) dst(%dma_wait3A_86 : memref<520x48xf32, #tpu.memory_space<vmem_shared>>)
        } else {
        }
        %barrier3A_85 = arith.constant 0 : index
        tpu.barrier barrier_id(%barrier3A_85)
      } else {
      }
      %ge3A_67 = arith.constant 1 : i32
      %ge3A_68 = arith.cmpi sge, %add3A_51, %ge3A_67 : i32
      %le3A_69 = arith.constant 80 : i32
      %le3A_70 = arith.cmpi sle, %add3A_51, %le3A_69 : i32
      %and3A_71 = arith.andi %ge3A_68, %le3A_70 : i1
      %convert_element_type3A_72 = arith.extui %and3A_71 : i1 to i32
      %cond3A_73 = arith.constant 0 : i32
      %cond3A_74 = arith.cmpi ne, %convert_element_type3A_72, %cond3A_73 : i32
      scf.if %cond3A_74 {
        %dma_wait3A = arith.constant 0 : i32
        %dma_wait3A_75 = arith.constant 0 : i32
        %dma_wait3A_76 = tpu.memref_slice %arg2[%dma_wait3A, %dma_wait3A_75] : memref<10000x48xf32, #tpu.memory_space<hbm>> -> memref<10000x48xf32, #tpu.memory_space<hbm>>
        tpu.wait_indirect_dma semaphore(%arg14 : memref<!tpu.dma_semaphore, #tpu.memory_space<semaphore_mem>>) src(%dma_wait3A_76 : memref<10000x48xf32, #tpu.memory_space<hbm>>) dst(%arg11 : memref<128x48xf32, #tpu.memory_space<vmem>>)
        %dma_start3A = arith.constant 0 : i32
        %dma_start3A_77 = arith.constant 0 : i32
        %dma_start3A_78 = tpu.memref_slice %arg13[%dma_start3A, %dma_start3A_77] : memref<10256x48xf32, #tpu.memory_space<vmem_shared>> -> memref<10256x48xf32, #tpu.memory_space<vmem_shared>>
        tpu.enqueue_indirect_dma source(%arg11 : memref<128x48xf32, #tpu.memory_space<vmem>>) target(%dma_start3A_78 : memref<10256x48xf32, #tpu.memory_space<vmem_shared>>) offsets(%arg9 : memref<128xi32, #tpu.memory_space<vmem>>) semaphore(%arg16 : memref<!tpu.dma_semaphore, #tpu.memory_space<semaphore_mem>>) {add = true}
      } else {
      }
    }
    %scan3A_14 = arith.constant 41 : i32
    %barrier3A = arith.constant 0 : index
    tpu.barrier barrier_id(%barrier3A)
    %lt3A_15 = arith.constant 15 : i32
    %lt3A_16 = arith.cmpi slt, %arg1, %lt3A_15 : i32
    %convert_element_type3A_17 = arith.extui %lt3A_16 : i1 to i32
    %cond3A_18 = arith.constant 0 : i32
    %cond3A_19 = arith.cmpi ne, %convert_element_type3A_17, %cond3A_18 : i32
    scf.if %cond3A_19 {
      "tpu.region"() ({
        %run_scoped3A = tpu.sem_alloc : memref<!tpu.dma_semaphore, #tpu.memory_space<semaphore_mem>>
        %dma_start3A = arith.constant 0 : i32
        %dma_start3A_25 = tpu.memref_slice %arg6[%arg0, %mul3A_4, %dma_start3A] : memref<2x10000x48xf32, #tpu.memory_space<hbm>> -> memref<1x632x48xf32, #tpu.memory_space<hbm>>
        %dma_start3A_26 = tpu.memref_squeeze %dma_start3A_25 : memref<1x632x48xf32, #tpu.memory_space<hbm>> -> memref<632x48xf32, #tpu.memory_space<hbm>>
        %dma_start3A_27 = arith.constant 0 : i32
        %dma_start3A_28 = tpu.memref_slice %arg13[%mul3A_4, %dma_start3A_27] : memref<10256x48xf32, #tpu.memory_space<vmem_shared>> -> memref<632x48xf32, #tpu.memory_space<vmem_shared>>
        tpu.enqueue_dma source(%dma_start3A_28 : memref<632x48xf32, #tpu.memory_space<vmem_shared>>) target(%dma_start3A_26 : memref<632x48xf32, #tpu.memory_space<hbm>>) target_semaphore(%run_scoped3A : memref<!tpu.dma_semaphore, #tpu.memory_space<semaphore_mem>>)
        %dma_wait3A = arith.constant 0 : i32
        %dma_wait3A_29 = tpu.memref_slice %arg6[%arg0, %mul3A_4, %dma_wait3A] : memref<2x10000x48xf32, #tpu.memory_space<hbm>> -> memref<1x632x48xf32, #tpu.memory_space<hbm>>
        %dma_wait3A_30 = tpu.memref_squeeze %dma_wait3A_29 : memref<1x632x48xf32, #tpu.memory_space<hbm>> -> memref<632x48xf32, #tpu.memory_space<hbm>>
        %dma_wait3A_31 = arith.constant 0 : i32
        %dma_wait3A_32 = tpu.memref_slice %arg13[%mul3A_4, %dma_wait3A_31] : memref<10256x48xf32, #tpu.memory_space<vmem_shared>> -> memref<632x48xf32, #tpu.memory_space<vmem_shared>>
        tpu.wait_dma2 semaphore(%run_scoped3A : memref<!tpu.dma_semaphore, #tpu.memory_space<semaphore_mem>>) src(%dma_wait3A_32 : memref<632x48xf32, #tpu.memory_space<vmem_shared>>) dst(%dma_wait3A_30 : memref<632x48xf32, #tpu.memory_space<hbm>>)
        tpu.yield
      }) : () -> ()
    } else {
    }
    %eq3A_20 = arith.constant 15 : i32
    %eq3A_21 = arith.cmpi eq, %arg1, %eq3A_20 : i32
    %convert_element_type3A_22 = arith.extui %eq3A_21 : i1 to i32
    %cond3A_23 = arith.constant 0 : i32
    %cond3A_24 = arith.cmpi ne, %convert_element_type3A_22, %cond3A_23 : i32
    scf.if %cond3A_24 {
      "tpu.region"() ({
        %run_scoped3A = tpu.sem_alloc : memref<!tpu.dma_semaphore, #tpu.memory_space<semaphore_mem>>
        %dma_start3A = arith.constant 0 : i32
        %dma_start3A_25 = tpu.memref_slice %arg6[%arg0, %mul3A_4, %dma_start3A] : memref<2x10000x48xf32, #tpu.memory_space<hbm>> -> memref<1x520x48xf32, #tpu.memory_space<hbm>>
        %dma_start3A_26 = tpu.memref_squeeze %dma_start3A_25 : memref<1x520x48xf32, #tpu.memory_space<hbm>> -> memref<520x48xf32, #tpu.memory_space<hbm>>
        %dma_start3A_27 = arith.constant 0 : i32
        %dma_start3A_28 = tpu.memref_slice %arg13[%mul3A_4, %dma_start3A_27] : memref<10256x48xf32, #tpu.memory_space<vmem_shared>> -> memref<520x48xf32, #tpu.memory_space<vmem_shared>>
        tpu.enqueue_dma source(%dma_start3A_28 : memref<520x48xf32, #tpu.memory_space<vmem_shared>>) target(%dma_start3A_26 : memref<520x48xf32, #tpu.memory_space<hbm>>) target_semaphore(%run_scoped3A : memref<!tpu.dma_semaphore, #tpu.memory_space<semaphore_mem>>)
        %dma_wait3A = arith.constant 0 : i32
        %dma_wait3A_29 = tpu.memref_slice %arg6[%arg0, %mul3A_4, %dma_wait3A] : memref<2x10000x48xf32, #tpu.memory_space<hbm>> -> memref<1x520x48xf32, #tpu.memory_space<hbm>>
        %dma_wait3A_30 = tpu.memref_squeeze %dma_wait3A_29 : memref<1x520x48xf32, #tpu.memory_space<hbm>> -> memref<520x48xf32, #tpu.memory_space<hbm>>
        %dma_wait3A_31 = arith.constant 0 : i32
        %dma_wait3A_32 = tpu.memref_slice %arg13[%mul3A_4, %dma_wait3A_31] : memref<10256x48xf32, #tpu.memory_space<vmem_shared>> -> memref<520x48xf32, #tpu.memory_space<vmem_shared>>
        tpu.wait_dma2 semaphore(%run_scoped3A : memref<!tpu.dma_semaphore, #tpu.memory_space<semaphore_mem>>) src(%dma_wait3A_32 : memref<520x48xf32, #tpu.memory_space<vmem_shared>>) dst(%dma_wait3A_30 : memref<520x48xf32, #tpu.memory_space<hbm>>)
        tpu.yield
      }) : () -> ()
    } else {
    }
    return
  }
}

module attributes {stable_mosaic.version = 14 : i64} {
  func.func @body(%arg0: i32, %arg1: memref<2000x128xf32, #tpu.memory_space<vmem>>, %arg2: memref<2x2000x160xbf16, #tpu.memory_space<vmem>>, %arg3: memref<128x256xf32, #tpu.memory_space<vmem>>, %arg4: memref<160x256xf32, #tpu.memory_space<vmem>>, %arg5: memref<1x256xf32, #tpu.memory_space<vmem>>, %arg6: memref<2x2000x128xf32, #tpu.memory_space<vmem>>, %arg7: memref<2000x256xbf16, #tpu.memory_space<vmem>>, %arg8: memref<2000x1xf32, #tpu.memory_space<vmem>>) attributes {dimension_semantics = [#tpu.dimension_semantics<arbitrary>], iteration_bounds = array<i64: 5>, scalar_prefetch = 0 : i64, scratch_operands = 0 : i64, tpu.core_type = #tpu.core_type<tc>, window_params = [{transform_indices = @transform_0, window_bounds = array<i64: 2000, 128>}, {transform_indices = @transform_1, window_bounds = array<i64: 2, 2000, 160>}, {pipeline_mode = #tpu.pipeline_mode<synchronous>, transform_indices = @transform_2, window_bounds = array<i64: 128, 256>}, {pipeline_mode = #tpu.pipeline_mode<synchronous>, transform_indices = @transform_3, window_bounds = array<i64: 160, 256>}, {pipeline_mode = #tpu.pipeline_mode<synchronous>, transform_indices = @transform_4, window_bounds = array<i64: 1, 256>}, {transform_indices = @transform_5, window_bounds = array<i64: 2, 2000, 128>}, {transform_indices = @transform_6, window_bounds = array<i64: 2000, 256>}, {transform_indices = @transform_7, window_bounds = array<i64: 2000, 1>}]} {
    %get3A = arith.constant 0 : index
    %get3A_0 = arith.constant 0 : index
    %get3A_1 = arith.constant 0 : index
    %get3A_2 = vector.load %arg2[%get3A, %get3A_0, %get3A_1] : memref<2x2000x160xbf16, #tpu.memory_space<vmem>>, vector<1x2000x160xbf16>
    %get3A_3 = vector.shape_cast %get3A_2 : vector<1x2000x160xbf16> to vector<2000x160xbf16>
    %convert_element_type3A = arith.extf %get3A_3 : vector<2000x160xbf16> to vector<2000x160xf32>
    %get3A_4 = arith.constant 1 : index
    %get3A_5 = arith.constant 0 : index
    %get3A_6 = arith.constant 0 : index
    %get3A_7 = vector.load %arg2[%get3A_4, %get3A_5, %get3A_6] : memref<2x2000x160xbf16, #tpu.memory_space<vmem>>, vector<1x2000x160xbf16>
    %get3A_8 = vector.shape_cast %get3A_7 : vector<1x2000x160xbf16> to vector<2000x160xbf16>
    %convert_element_type3A_9 = arith.extf %get3A_8 : vector<2000x160xbf16> to vector<2000x160xf32>
    %add3A = arith.addf %convert_element_type3A, %convert_element_type3A_9 : vector<2000x160xf32>
    %slice3A = vector.extract_strided_slice %add3A {offsets = [0, 128], sizes = [2000, 1], strides = [1, 1]} : vector<2000x160xf32> to vector<2000x1xf32>
    %max3A = arith.constant 1.000000e+00 : f32
    %max3A_10 = vector.broadcast %max3A : f32 to vector<2000x1xf32>
    %max3A_11 = arith.maximumf %slice3A, %max3A_10 : vector<2000x1xf32>
    %div3A = arith.constant 1.000000e+00 : f32
    %div3A_12 = vector.broadcast %div3A : f32 to vector<2000x1xf32>
    %div3A_13 = arith.divf %div3A_12, %max3A_11 : vector<2000x1xf32>
    %get3A_14 = arith.constant 0 : index
    %get3A_15 = arith.constant 0 : index
    %get3A_16 = vector.load %arg4[%get3A_14, %get3A_15] : memref<160x256xf32, #tpu.memory_space<vmem>>, vector<160x256xf32>
    %dot_general3A = arith.constant dense<0.000000e+00> : vector<2000x256xf32>
    %dot_general3A_17 = tpu.matmul %add3A, %get3A_16, %dot_general3A {dimension_numbers = #tpu.dot_dimension_numbers<[1], [0], [0], [1], [0, 0, 1, 1], [], []>, transpose_lhs_hint = false} : vector<2000x160xf32>, vector<160x256xf32>, vector<2000x256xf32> -> vector<2000x256xf32>
    %mul3A = vector.broadcast %div3A_13 : vector<2000x1xf32> to vector<2000x256xf32>
    %mul3A_18 = arith.mulf %dot_general3A_17, %mul3A : vector<2000x256xf32>
    %get3A_19 = arith.constant 0 : index
    %get3A_20 = arith.constant 0 : index
    %get3A_21 = vector.load %arg1[%get3A_19, %get3A_20] : memref<2000x128xf32, #tpu.memory_space<vmem>>, vector<2000x128xf32>
    %get3A_22 = arith.constant 0 : index
    %get3A_23 = arith.constant 0 : index
    %get3A_24 = vector.load %arg3[%get3A_22, %get3A_23] : memref<128x256xf32, #tpu.memory_space<vmem>>, vector<128x256xf32>
    %dot_general3A_25 = arith.constant dense<0.000000e+00> : vector<2000x256xf32>
    %dot_general3A_26 = tpu.matmul %get3A_21, %get3A_24, %dot_general3A_25 {dimension_numbers = #tpu.dot_dimension_numbers<[1], [0], [0], [1], [0, 0, 1, 1], [], []>, transpose_lhs_hint = false} : vector<2000x128xf32>, vector<128x256xf32>, vector<2000x256xf32> -> vector<2000x256xf32>
    %add3A_27 = arith.addf %dot_general3A_26, %mul3A_18 : vector<2000x256xf32>
    %get3A_28 = arith.constant 0 : index
    %get3A_29 = arith.constant 0 : index
    %get3A_30 = vector.load %arg5[%get3A_28, %get3A_29] : memref<1x256xf32, #tpu.memory_space<vmem>>, vector<1x256xf32>
    %add3A_31 = vector.broadcast %get3A_30 : vector<1x256xf32> to vector<2000x256xf32>
    %add3A_32 = arith.addf %add3A_27, %add3A_31 : vector<2000x256xf32>
    %max3A_33 = arith.constant 0.000000e+00 : f32
    %max3A_34 = vector.broadcast %max3A_33 : f32 to vector<2000x256xf32>
    %max3A_35 = arith.maximumf %add3A_32, %max3A_34 : vector<2000x256xf32>
    %slice3A_36 = vector.extract_strided_slice %max3A_35 {offsets = [0, 0], sizes = [2000, 128], strides = [1, 1]} : vector<2000x256xf32> to vector<2000x128xf32>
    %swap3A = arith.constant 0 : index
    %swap3A_37 = arith.constant 0 : index
    %swap3A_38 = arith.constant 0 : index
    %swap3A_39 = vector.load %arg6[%swap3A, %swap3A_37, %swap3A_38] : memref<2x2000x128xf32, #tpu.memory_space<vmem>>, vector<1x2000x128xf32>
    %swap3A_40 = vector.shape_cast %swap3A_39 : vector<1x2000x128xf32> to vector<2000x128xf32>
    %swap3A_41 = vector.shape_cast %slice3A_36 : vector<2000x128xf32> to vector<1x2000x128xf32>
    tpu.vector_store %arg6[%swap3A, %swap3A_37, %swap3A_38], %swap3A_41 {strides = array<i32>} : memref<2x2000x128xf32, #tpu.memory_space<vmem>>, vector<1x2000x128xf32>,
    %slice3A_42 = vector.extract_strided_slice %max3A_35 {offsets = [0, 128], sizes = [2000, 128], strides = [1, 1]} : vector<2000x256xf32> to vector<2000x128xf32>
    %swap3A_43 = arith.constant 1 : index
    %swap3A_44 = arith.constant 0 : index
    %swap3A_45 = arith.constant 0 : index
    %swap3A_46 = vector.load %arg6[%swap3A_43, %swap3A_44, %swap3A_45] : memref<2x2000x128xf32, #tpu.memory_space<vmem>>, vector<1x2000x128xf32>
    %swap3A_47 = vector.shape_cast %swap3A_46 : vector<1x2000x128xf32> to vector<2000x128xf32>
    %swap3A_48 = vector.shape_cast %slice3A_42 : vector<2000x128xf32> to vector<1x2000x128xf32>
    tpu.vector_store %arg6[%swap3A_43, %swap3A_44, %swap3A_45], %swap3A_48 {strides = array<i32>} : memref<2x2000x128xf32, #tpu.memory_space<vmem>>, vector<1x2000x128xf32>,
    %convert_element_type3A_49 = arith.truncf %max3A_35 : vector<2000x256xf32> to vector<2000x256xbf16>
    %swap3A_50 = arith.constant 0 : index
    %swap3A_51 = arith.constant 0 : index
    %swap3A_52 = vector.load %arg7[%swap3A_50, %swap3A_51] : memref<2000x256xbf16, #tpu.memory_space<vmem>>, vector<2000x256xbf16>
    tpu.vector_store %arg7[%swap3A_50, %swap3A_51], %convert_element_type3A_49 {strides = array<i32>} : memref<2000x256xbf16, #tpu.memory_space<vmem>>, vector<2000x256xbf16>,
    %swap3A_53 = arith.constant 0 : index
    %swap3A_54 = arith.constant 0 : index
    %swap3A_55 = vector.load %arg8[%swap3A_53, %swap3A_54] : memref<2000x1xf32, #tpu.memory_space<vmem>>, vector<2000x1xf32>
    tpu.vector_store %arg8[%swap3A_53, %swap3A_54], %div3A_13 {strides = array<i32>} : memref<2000x1xf32, #tpu.memory_space<vmem>>, vector<2000x1xf32>,
    return
  }
  func.func @transform_0(%arg0: i32) -> (i32, i32) {
    %c0_i32 = arith.constant 0 : i32
    %c0_i32_0 = arith.constant 0 : i32
    return %arg0, %c0_i32 : i32, i32
  }
  func.func @transform_1(%arg0: i32) -> (i32, i32, i32) {
    %c0_i32 = arith.constant 0 : i32
    %c0_i32_0 = arith.constant 0 : i32
    %c0_i32_1 = arith.constant 0 : i32
    return %c0_i32, %arg0, %c0_i32_0 : i32, i32, i32
  }
  func.func @transform_2(%arg0: i32) -> (i32, i32) {
    %c0_i32 = arith.constant 0 : i32
    %c0_i32_0 = arith.constant 0 : i32
    %c0_i32_1 = arith.constant 0 : i32
    return %c0_i32, %c0_i32_0 : i32, i32
  }
  func.func @transform_3(%arg0: i32) -> (i32, i32) {
    %c0_i32 = arith.constant 0 : i32
    %c0_i32_0 = arith.constant 0 : i32
    %c0_i32_1 = arith.constant 0 : i32
    return %c0_i32, %c0_i32_0 : i32, i32
  }
  func.func @transform_4(%arg0: i32) -> (i32, i32) {
    %c0_i32 = arith.constant 0 : i32
    %c0_i32_0 = arith.constant 0 : i32
    %c0_i32_1 = arith.constant 0 : i32
    return %c0_i32, %c0_i32_0 : i32, i32
  }
  func.func @transform_5(%arg0: i32) -> (i32, i32, i32) {
    %c0_i32 = arith.constant 0 : i32
    %c0_i32_0 = arith.constant 0 : i32
    %c0_i32_1 = arith.constant 0 : i32
    return %c0_i32, %arg0, %c0_i32_0 : i32, i32, i32
  }
  func.func @transform_6(%arg0: i32) -> (i32, i32) {
    %c0_i32 = arith.constant 0 : i32
    %c0_i32_0 = arith.constant 0 : i32
    return %arg0, %c0_i32 : i32, i32
  }
  func.func @transform_7(%arg0: i32) -> (i32, i32) {
    %c0_i32 = arith.constant 0 : i32
    %c0_i32_0 = arith.constant 0 : i32
    return %arg0, %c0_i32 : i32, i32
  }
}

module attributes {stable_mosaic.version = 14 : i64} {
  func.func @body(%arg0: i32, %arg1: memref<2x2000x128xf32, #tpu.memory_space<vmem>>, %arg2: memref<2x2000x256xbf16, #tpu.memory_space<vmem>>, %arg3: memref<2000x1xf32, #tpu.memory_space<vmem>>, %arg4: memref<128x256xf32, #tpu.memory_space<vmem>>, %arg5: memref<128x256xf32, #tpu.memory_space<vmem>>, %arg6: memref<256x256xf32, #tpu.memory_space<vmem>>, %arg7: memref<1x256xf32, #tpu.memory_space<vmem>>, %arg8: memref<256x48xf32, #tpu.memory_space<vmem>>, %arg9: memref<2x2000x128xf32, #tpu.memory_space<vmem>>, %arg10: memref<2000x48xf32, #tpu.memory_space<vmem>>) attributes {dimension_semantics = [#tpu.dimension_semantics<arbitrary>], iteration_bounds = array<i64: 5>, scalar_prefetch = 0 : i64, scratch_operands = 0 : i64, tpu.core_type = #tpu.core_type<tc>, window_params = [{transform_indices = @transform_0, window_bounds = array<i64: 2, 2000, 128>}, {transform_indices = @transform_1, window_bounds = array<i64: 2, 2000, 256>}, {transform_indices = @transform_2, window_bounds = array<i64: 2000, 1>}, {pipeline_mode = #tpu.pipeline_mode<synchronous>, transform_indices = @transform_3, window_bounds = array<i64: 128, 256>}, {pipeline_mode = #tpu.pipeline_mode<synchronous>, transform_indices = @transform_4, window_bounds = array<i64: 128, 256>}, {pipeline_mode = #tpu.pipeline_mode<synchronous>, transform_indices = @transform_5, window_bounds = array<i64: 256, 256>}, {pipeline_mode = #tpu.pipeline_mode<synchronous>, transform_indices = @transform_6, window_bounds = array<i64: 1, 256>}, {pipeline_mode = #tpu.pipeline_mode<synchronous>, transform_indices = @transform_7, window_bounds = array<i64: 256, 48>}, {transform_indices = @transform_8, window_bounds = array<i64: 2, 2000, 128>}, {transform_indices = @transform_9, window_bounds = array<i64: 2000, 48>}]} {
    %get3A = arith.constant 0 : index
    %get3A_0 = arith.constant 0 : index
    %get3A_1 = vector.load %arg3[%get3A, %get3A_0] : memref<2000x1xf32, #tpu.memory_space<vmem>>, vector<2000x1xf32>
    %get3A_2 = arith.constant 0 : index
    %get3A_3 = arith.constant 0 : index
    %get3A_4 = arith.constant 0 : index
    %get3A_5 = vector.load %arg2[%get3A_2, %get3A_3, %get3A_4] : memref<2x2000x256xbf16, #tpu.memory_space<vmem>>, vector<1x2000x256xbf16>
    %get3A_6 = vector.shape_cast %get3A_5 : vector<1x2000x256xbf16> to vector<2000x256xbf16>
    %convert_element_type3A = arith.extf %get3A_6 : vector<2000x256xbf16> to vector<2000x256xf32>
    %get3A_7 = arith.constant 1 : index
    %get3A_8 = arith.constant 0 : index
    %get3A_9 = arith.constant 0 : index
    %get3A_10 = vector.load %arg2[%get3A_7, %get3A_8, %get3A_9] : memref<2x2000x256xbf16, #tpu.memory_space<vmem>>, vector<1x2000x256xbf16>
    %get3A_11 = vector.shape_cast %get3A_10 : vector<1x2000x256xbf16> to vector<2000x256xbf16>
    %convert_element_type3A_12 = arith.extf %get3A_11 : vector<2000x256xbf16> to vector<2000x256xf32>
    %add3A = arith.addf %convert_element_type3A, %convert_element_type3A_12 : vector<2000x256xf32>
    %get3A_13 = arith.constant 0 : index
    %get3A_14 = arith.constant 0 : index
    %get3A_15 = vector.load %arg6[%get3A_13, %get3A_14] : memref<256x256xf32, #tpu.memory_space<vmem>>, vector<256x256xf32>
    %dot_general3A = arith.constant dense<0.000000e+00> : vector<2000x256xf32>
    %dot_general3A_16 = tpu.matmul %add3A, %get3A_15, %dot_general3A {dimension_numbers = #tpu.dot_dimension_numbers<[1], [0], [0], [1], [0, 0, 1, 1], [], []>, transpose_lhs_hint = false} : vector<2000x256xf32>, vector<256x256xf32>, vector<2000x256xf32> -> vector<2000x256xf32>
    %mul3A = vector.broadcast %get3A_1 : vector<2000x1xf32> to vector<2000x256xf32>
    %mul3A_17 = arith.mulf %dot_general3A_16, %mul3A : vector<2000x256xf32>
    %get3A_18 = arith.constant 0 : index
    %get3A_19 = arith.constant 0 : index
    %get3A_20 = arith.constant 0 : index
    %get3A_21 = vector.load %arg1[%get3A_18, %get3A_19, %get3A_20] : memref<2x2000x128xf32, #tpu.memory_space<vmem>>, vector<1x2000x128xf32>
    %get3A_22 = vector.shape_cast %get3A_21 : vector<1x2000x128xf32> to vector<2000x128xf32>
    %get3A_23 = arith.constant 0 : index
    %get3A_24 = arith.constant 0 : index
    %get3A_25 = vector.load %arg4[%get3A_23, %get3A_24] : memref<128x256xf32, #tpu.memory_space<vmem>>, vector<128x256xf32>
    %dot_general3A_26 = arith.constant dense<0.000000e+00> : vector<2000x256xf32>
    %dot_general3A_27 = tpu.matmul %get3A_22, %get3A_25, %dot_general3A_26 {dimension_numbers = #tpu.dot_dimension_numbers<[1], [0], [0], [1], [0, 0, 1, 1], [], []>, transpose_lhs_hint = false} : vector<2000x128xf32>, vector<128x256xf32>, vector<2000x256xf32> -> vector<2000x256xf32>
    %get3A_28 = arith.constant 1 : index
    %get3A_29 = arith.constant 0 : index
    %get3A_30 = arith.constant 0 : index
    %get3A_31 = vector.load %arg1[%get3A_28, %get3A_29, %get3A_30] : memref<2x2000x128xf32, #tpu.memory_space<vmem>>, vector<1x2000x128xf32>
    %get3A_32 = vector.shape_cast %get3A_31 : vector<1x2000x128xf32> to vector<2000x128xf32>
    %get3A_33 = arith.constant 0 : index
    %get3A_34 = arith.constant 0 : index
    %get3A_35 = vector.load %arg5[%get3A_33, %get3A_34] : memref<128x256xf32, #tpu.memory_space<vmem>>, vector<128x256xf32>
    %dot_general3A_36 = arith.constant dense<0.000000e+00> : vector<2000x256xf32>
    %dot_general3A_37 = tpu.matmul %get3A_32, %get3A_35, %dot_general3A_36 {dimension_numbers = #tpu.dot_dimension_numbers<[1], [0], [0], [1], [0, 0, 1, 1], [], []>, transpose_lhs_hint = false} : vector<2000x128xf32>, vector<128x256xf32>, vector<2000x256xf32> -> vector<2000x256xf32>
    %add3A_38 = arith.addf %dot_general3A_27, %dot_general3A_37 : vector<2000x256xf32>
    %add3A_39 = arith.addf %add3A_38, %mul3A_17 : vector<2000x256xf32>
    %get3A_40 = arith.constant 0 : index
    %get3A_41 = arith.constant 0 : index
    %get3A_42 = vector.load %arg7[%get3A_40, %get3A_41] : memref<1x256xf32, #tpu.memory_space<vmem>>, vector<1x256xf32>
    %add3A_43 = vector.broadcast %get3A_42 : vector<1x256xf32> to vector<2000x256xf32>
    %add3A_44 = arith.addf %add3A_39, %add3A_43 : vector<2000x256xf32>
    %max3A = arith.constant 0.000000e+00 : f32
    %max3A_45 = vector.broadcast %max3A : f32 to vector<2000x256xf32>
    %max3A_46 = arith.maximumf %add3A_44, %max3A_45 : vector<2000x256xf32>
    %get3A_47 = arith.constant 0 : index
    %get3A_48 = arith.constant 0 : index
    %get3A_49 = vector.load %arg8[%get3A_47, %get3A_48] : memref<256x48xf32, #tpu.memory_space<vmem>>, vector<256x48xf32>
    %dot_general3A_50 = arith.constant dense<0.000000e+00> : vector<2000x48xf32>
    %dot_general3A_51 = tpu.matmul %max3A_46, %get3A_49, %dot_general3A_50 {dimension_numbers = #tpu.dot_dimension_numbers<[1], [0], [0], [1], [0, 0, 1, 1], [], []>, transpose_lhs_hint = false} : vector<2000x256xf32>, vector<256x48xf32>, vector<2000x48xf32> -> vector<2000x48xf32>
    %swap3A = arith.constant 0 : index
    %swap3A_52 = arith.constant 0 : index
    %swap3A_53 = vector.load %arg10[%swap3A, %swap3A_52] : memref<2000x48xf32, #tpu.memory_space<vmem>>, vector<2000x48xf32>
    tpu.vector_store %arg10[%swap3A, %swap3A_52], %dot_general3A_51 {strides = array<i32>} : memref<2000x48xf32, #tpu.memory_space<vmem>>, vector<2000x48xf32>,
    %slice3A = vector.extract_strided_slice %max3A_46 {offsets = [0, 0], sizes = [2000, 128], strides = [1, 1]} : vector<2000x256xf32> to vector<2000x128xf32>
    %swap3A_54 = arith.constant 0 : index
    %swap3A_55 = arith.constant 0 : index
    %swap3A_56 = arith.constant 0 : index
    %swap3A_57 = vector.load %arg9[%swap3A_54, %swap3A_55, %swap3A_56] : memref<2x2000x128xf32, #tpu.memory_space<vmem>>, vector<1x2000x128xf32>
    %swap3A_58 = vector.shape_cast %swap3A_57 : vector<1x2000x128xf32> to vector<2000x128xf32>
    %swap3A_59 = vector.shape_cast %slice3A : vector<2000x128xf32> to vector<1x2000x128xf32>
    tpu.vector_store %arg9[%swap3A_54, %swap3A_55, %swap3A_56], %swap3A_59 {strides = array<i32>} : memref<2x2000x128xf32, #tpu.memory_space<vmem>>, vector<1x2000x128xf32>,
    %slice3A_60 = vector.extract_strided_slice %max3A_46 {offsets = [0, 128], sizes = [2000, 128], strides = [1, 1]} : vector<2000x256xf32> to vector<2000x128xf32>
    %swap3A_61 = arith.constant 1 : index
    %swap3A_62 = arith.constant 0 : index
    %swap3A_63 = arith.constant 0 : index
    %swap3A_64 = vector.load %arg9[%swap3A_61, %swap3A_62, %swap3A_63] : memref<2x2000x128xf32, #tpu.memory_space<vmem>>, vector<1x2000x128xf32>
    %swap3A_65 = vector.shape_cast %swap3A_64 : vector<1x2000x128xf32> to vector<2000x128xf32>
    %swap3A_66 = vector.shape_cast %slice3A_60 : vector<2000x128xf32> to vector<1x2000x128xf32>
    tpu.vector_store %arg9[%swap3A_61, %swap3A_62, %swap3A_63], %swap3A_66 {strides = array<i32>} : memref<2x2000x128xf32, #tpu.memory_space<vmem>>, vector<1x2000x128xf32>,
    return
  }
  func.func @transform_0(%arg0: i32) -> (i32, i32, i32) {
    %c0_i32 = arith.constant 0 : i32
    %c0_i32_0 = arith.constant 0 : i32
    %c0_i32_1 = arith.constant 0 : i32
    return %c0_i32, %arg0, %c0_i32_0 : i32, i32, i32
  }
  func.func @transform_1(%arg0: i32) -> (i32, i32, i32) {
    %c0_i32 = arith.constant 0 : i32
    %c0_i32_0 = arith.constant 0 : i32
    %c0_i32_1 = arith.constant 0 : i32
    return %c0_i32, %arg0, %c0_i32_0 : i32, i32, i32
  }
  func.func @transform_2(%arg0: i32) -> (i32, i32) {
    %c0_i32 = arith.constant 0 : i32
    %c0_i32_0 = arith.constant 0 : i32
    return %arg0, %c0_i32 : i32, i32
  }
  func.func @transform_3(%arg0: i32) -> (i32, i32) {
    %c0_i32 = arith.constant 0 : i32
    %c0_i32_0 = arith.constant 0 : i32
    %c0_i32_1 = arith.constant 0 : i32
    return %c0_i32, %c0_i32_0 : i32, i32
  }
  func.func @transform_4(%arg0: i32) -> (i32, i32) {
    %c0_i32 = arith.constant 0 : i32
    %c0_i32_0 = arith.constant 0 : i32
    %c0_i32_1 = arith.constant 0 : i32
    return %c0_i32, %c0_i32_0 : i32, i32
  }
  func.func @transform_5(%arg0: i32) -> (i32, i32) {
    %c0_i32 = arith.constant 0 : i32
    %c0_i32_0 = arith.constant 0 : i32
    %c0_i32_1 = arith.constant 0 : i32
    return %c0_i32, %c0_i32_0 : i32, i32
  }
  func.func @transform_6(%arg0: i32) -> (i32, i32) {
    %c0_i32 = arith.constant 0 : i32
    %c0_i32_0 = arith.constant 0 : i32
    %c0_i32_1 = arith.constant 0 : i32
    return %c0_i32, %c0_i32_0 : i32, i32
  }
  func.func @transform_7(%arg0: i32) -> (i32, i32) {
    %c0_i32 = arith.constant 0 : i32
    %c0_i32_0 = arith.constant 0 : i32
    %c0_i32_1 = arith.constant 0 : i32
    return %c0_i32, %c0_i32_0 : i32, i32
  }
  func.func @transform_8(%arg0: i32) -> (i32, i32, i32) {
    %c0_i32 = arith.constant 0 : i32
    %c0_i32_0 = arith.constant 0 : i32
    %c0_i32_1 = arith.constant 0 : i32
    return %c0_i32, %arg0, %c0_i32_0 : i32, i32, i32
  }
  func.func @transform_9(%arg0: i32) -> (i32, i32) {
    %c0_i32 = arith.constant 0 : i32
    %c0_i32_0 = arith.constant 0 : i32
    return %arg0, %c0_i32 : i32, i32
  }
}

module attributes {stable_mosaic.version = 14 : i64} {
  func.func @body(%arg0: i32, %arg1: memref<2x2000x128xf32, #tpu.memory_space<vmem>>, %arg2: memref<2x2000x48xf32, #tpu.memory_space<vmem>>, %arg3: memref<2000x1xf32, #tpu.memory_space<vmem>>, %arg4: memref<128x48xf32, #tpu.memory_space<vmem>>, %arg5: memref<128x48xf32, #tpu.memory_space<vmem>>, %arg6: memref<1x48xf32, #tpu.memory_space<vmem>>, %arg7: memref<2000x48xf32, #tpu.memory_space<vmem>>) attributes {dimension_semantics = [#tpu.dimension_semantics<arbitrary>], iteration_bounds = array<i64: 5>, scalar_prefetch = 0 : i64, scratch_operands = 0 : i64, tpu.core_type = #tpu.core_type<tc>, window_params = [{transform_indices = @transform_0, window_bounds = array<i64: 2, 2000, 128>}, {transform_indices = @transform_1, window_bounds = array<i64: 2, 2000, 48>}, {transform_indices = @transform_2, window_bounds = array<i64: 2000, 1>}, {pipeline_mode = #tpu.pipeline_mode<synchronous>, transform_indices = @transform_3, window_bounds = array<i64: 128, 48>}, {pipeline_mode = #tpu.pipeline_mode<synchronous>, transform_indices = @transform_4, window_bounds = array<i64: 128, 48>}, {pipeline_mode = #tpu.pipeline_mode<synchronous>, transform_indices = @transform_5, window_bounds = array<i64: 1, 48>}, {transform_indices = @transform_6, window_bounds = array<i64: 2000, 48>}]} {
    %get3A = arith.constant 0 : index
    %get3A_0 = arith.constant 0 : index
    %get3A_1 = arith.constant 0 : index
    %get3A_2 = vector.load %arg2[%get3A, %get3A_0, %get3A_1] : memref<2x2000x48xf32, #tpu.memory_space<vmem>>, vector<1x2000x48xf32>
    %get3A_3 = vector.shape_cast %get3A_2 : vector<1x2000x48xf32> to vector<2000x48xf32>
    %get3A_4 = arith.constant 1 : index
    %get3A_5 = arith.constant 0 : index
    %get3A_6 = arith.constant 0 : index
    %get3A_7 = vector.load %arg2[%get3A_4, %get3A_5, %get3A_6] : memref<2x2000x48xf32, #tpu.memory_space<vmem>>, vector<1x2000x48xf32>
    %get3A_8 = vector.shape_cast %get3A_7 : vector<1x2000x48xf32> to vector<2000x48xf32>
    %add3A = arith.addf %get3A_3, %get3A_8 : vector<2000x48xf32>
    %get3A_9 = arith.constant 0 : index
    %get3A_10 = arith.constant 0 : index
    %get3A_11 = vector.load %arg3[%get3A_9, %get3A_10] : memref<2000x1xf32, #tpu.memory_space<vmem>>, vector<2000x1xf32>
    %mul3A = vector.broadcast %get3A_11 : vector<2000x1xf32> to vector<2000x48xf32>
    %mul3A_12 = arith.mulf %add3A, %mul3A : vector<2000x48xf32>
    %get3A_13 = arith.constant 0 : index
    %get3A_14 = arith.constant 0 : index
    %get3A_15 = arith.constant 0 : index
    %get3A_16 = vector.load %arg1[%get3A_13, %get3A_14, %get3A_15] : memref<2x2000x128xf32, #tpu.memory_space<vmem>>, vector<1x2000x128xf32>
    %get3A_17 = vector.shape_cast %get3A_16 : vector<1x2000x128xf32> to vector<2000x128xf32>
    %get3A_18 = arith.constant 0 : index
    %get3A_19 = arith.constant 0 : index
    %get3A_20 = vector.load %arg4[%get3A_18, %get3A_19] : memref<128x48xf32, #tpu.memory_space<vmem>>, vector<128x48xf32>
    %dot_general3A = arith.constant dense<0.000000e+00> : vector<2000x48xf32>
    %dot_general3A_21 = tpu.matmul %get3A_17, %get3A_20, %dot_general3A {dimension_numbers = #tpu.dot_dimension_numbers<[1], [0], [0], [1], [0, 0, 1, 1], [], []>, transpose_lhs_hint = false} : vector<2000x128xf32>, vector<128x48xf32>, vector<2000x48xf32> -> vector<2000x48xf32>
    %get3A_22 = arith.constant 1 : index
    %get3A_23 = arith.constant 0 : index
    %get3A_24 = arith.constant 0 : index
    %get3A_25 = vector.load %arg1[%get3A_22, %get3A_23, %get3A_24] : memref<2x2000x128xf32, #tpu.memory_space<vmem>>, vector<1x2000x128xf32>
    %get3A_26 = vector.shape_cast %get3A_25 : vector<1x2000x128xf32> to vector<2000x128xf32>
    %get3A_27 = arith.constant 0 : index
    %get3A_28 = arith.constant 0 : index
    %get3A_29 = vector.load %arg5[%get3A_27, %get3A_28] : memref<128x48xf32, #tpu.memory_space<vmem>>, vector<128x48xf32>
    %dot_general3A_30 = arith.constant dense<0.000000e+00> : vector<2000x48xf32>
    %dot_general3A_31 = tpu.matmul %get3A_26, %get3A_29, %dot_general3A_30 {dimension_numbers = #tpu.dot_dimension_numbers<[1], [0], [0], [1], [0, 0, 1, 1], [], []>, transpose_lhs_hint = false} : vector<2000x128xf32>, vector<128x48xf32>, vector<2000x48xf32> -> vector<2000x48xf32>
    %add3A_32 = arith.addf %dot_general3A_21, %dot_general3A_31 : vector<2000x48xf32>
    %add3A_33 = arith.addf %add3A_32, %mul3A_12 : vector<2000x48xf32>
    %get3A_34 = arith.constant 0 : index
    %get3A_35 = arith.constant 0 : index
    %get3A_36 = vector.load %arg6[%get3A_34, %get3A_35] : memref<1x48xf32, #tpu.memory_space<vmem>>, vector<1x48xf32>
    %add3A_37 = vector.broadcast %get3A_36 : vector<1x48xf32> to vector<2000x48xf32>
    %add3A_38 = arith.addf %add3A_33, %add3A_37 : vector<2000x48xf32>
    %swap3A = arith.constant 0 : index
    %swap3A_39 = arith.constant 0 : index
    %swap3A_40 = vector.load %arg7[%swap3A, %swap3A_39] : memref<2000x48xf32, #tpu.memory_space<vmem>>, vector<2000x48xf32>
    tpu.vector_store %arg7[%swap3A, %swap3A_39], %add3A_38 {strides = array<i32>} : memref<2000x48xf32, #tpu.memory_space<vmem>>, vector<2000x48xf32>,
    return
  }
  func.func @transform_0(%arg0: i32) -> (i32, i32, i32) {
    %c0_i32 = arith.constant 0 : i32
    %c0_i32_0 = arith.constant 0 : i32
    %c0_i32_1 = arith.constant 0 : i32
    return %c0_i32, %arg0, %c0_i32_0 : i32, i32, i32
  }
  func.func @transform_1(%arg0: i32) -> (i32, i32, i32) {
    %c0_i32 = arith.constant 0 : i32
    %c0_i32_0 = arith.constant 0 : i32
    %c0_i32_1 = arith.constant 0 : i32
    return %c0_i32, %arg0, %c0_i32_0 : i32, i32, i32
  }
  func.func @transform_2(%arg0: i32) -> (i32, i32) {
    %c0_i32 = arith.constant 0 : i32
    %c0_i32_0 = arith.constant 0 : i32
    return %arg0, %c0_i32 : i32, i32
  }
  func.func @transform_3(%arg0: i32) -> (i32, i32) {
    %c0_i32 = arith.constant 0 : i32
    %c0_i32_0 = arith.constant 0 : i32
    %c0_i32_1 = arith.constant 0 : i32
    return %c0_i32, %c0_i32_0 : i32, i32
  }
  func.func @transform_4(%arg0: i32) -> (i32, i32) {
    %c0_i32 = arith.constant 0 : i32
    %c0_i32_0 = arith.constant 0 : i32
    %c0_i32_1 = arith.constant 0 : i32
    return %c0_i32, %c0_i32_0 : i32, i32
  }
  func.func @transform_5(%arg0: i32) -> (i32, i32) {
    %c0_i32 = arith.constant 0 : i32
    %c0_i32_0 = arith.constant 0 : i32
    %c0_i32_1 = arith.constant 0 : i32
    return %c0_i32, %c0_i32_0 : i32, i32
  }
  func.func @transform_6(%arg0: i32) -> (i32, i32) {
    %c0_i32 = arith.constant 0 : i32
    %c0_i32_0 = arith.constant 0 : i32
    return %arg0, %c0_i32 : i32, i32
  }
}

</mosaic_0001>

<sc_bundles>
// kernel: kernel.11.cloned.1.call-start
scs
__scs_entry_jumppad:
0x0: {  	(pc) =	sbr.rel $0x88, $3  }
0x1: {  	(tag) =	ssettag $0x0;
	lr =	simm.s32 $0x1  }
0x2: {  	[smem:$0x3F96] =	sst lr;
	_ =	strace $0xD0000000  }
0x3: {  	_ = 	snop  }
0x4: {  	_ = 	snop  }
0x5: {  	_ = 	snop  }
0x6: {  	_ = 	snop  }
0x7: {  	_ = 	snop  }
__scs_overlays_trampoline_lowered:
0x8: {  	[smem:$0x3FA5] =	sst s0  }
0x9: {  	[smem:$0x3FA6] =	sst s1  }
0xa: {  	[smem:$0x3FA7] =	sst s2  }
0xb: {  	[smem:$0x3FA8] =	sst s3  }
0xc: {  	[smem:$0x3FA9] =	sst s4  }
0xd: {  	[smem:$0x3FAA] =	sst s5  }
0xe: {  	[smem:$0x3FAB] =	sst s6  }
0xf: {  	[smem:$0x3FAC] =	sst s7  }
0x10: {  	[smem:$0x3FAD] =	sst s8  }
0x11: {  	[smem:$0x3FAE] =	sst s9;
	s0 =	simm.s32 @!p0 $0x0  }
0x12: {  	s1 =	sld [smem:$0x3F94];
	s0 =	simm.s32 @p0 $0x1  }
0x13: {  	[smem:$0x3FAF] =	sst s0;
	s0 =	simm.s32 @!p1 $0x0  }
0x14: {  	s2 =	sld [smem:$0x3F93];
	s0 =	simm.s32 @p1 $0x1  }
0x15: {  	[smem:$0x3FB0] =	sst s0;
	s0 =	simm.s32 @!p2 $0x0  }
0x16: {  	s3 =	sld [smem:$0x3FDB];
	s0 =	simm.s32 @p2 $0x1  }
0x17: {  	s4 =	simm.s32 $0x1BF5;
	[smem:$0x3FB2] =	sst s0  }
0x18: {  	s0 =	sld [smem:$0x3F95];
	_ =	swait.ge [sflag:s4], $0x0  }
0x19: {  	s7 =	sld [smem:$0x3F96]  }
0x1a: {  	s8 =	sadd.s32 $0xFFFFE003, lr  }
0x1b: {  	s9 =	sadd.s32 $0xFFFFFEF7, lr;
	s5 =	simm.s32 $0xFFFFFFFF;
	p2 =	slt.u32 s8, $0xFFFFF086  }
0x1c: {  	p1 =	slt.u32 s9, $0xF7A;
	s5 =	simm.s32 @!p2 $0x0  }
0x1d: {  	s5 =	simm.s32 @p1 $0x1;
	p0 =	seq.s32 s7, s2  }
0x1e: {  	s7 =	smul.u32 @!p0 $0xF7A, s2;
	p2 =	seq.s32 @!p0 s5, $0x0  }
0x1f: {  	s9 =	smul.u32 $0xF7A, s1;
	s8 =	simm.s32 @!p0 $0x1BF5;
	p2 =	por !p2, p0  }
0x20: {  	[sflag:s8] =	ssyncset.s32 @!p0 $0xFFFFF086;
	s6 =	sadd.s32 @!p0 s3, s7;
	s7 =	simm.s32 @!p0 $0x108  }
0x21: {  	s3 =	sadd.s32 s3, s9;
	s6 =	sadd.s32 @!p0 $0x88, s6;
	s7 =	simm.s32 @p2 $0x1082  }
0x22: {  	[simem:s7], [sflag:s8] =	dma.local @!p0 [hbm:s6], $0xF7A  }
0x23: {  	s9 =	sor.u32 $0xD0000000, s2;
	s6 =	simm.s32 $0x108;
	_ =	swait.ge @!p0 [sflag:s8], $0x0  }
0x24: {  	s3 =	sadd.s32 $0x88, s3;
	s6 =	simm.s32 @!p1 $0x1082;
	[sflag:s4] =	ssyncset.s32 $0xFFFFF086  }
0x25: {  	[simem:s6], [sflag:s4] =	dma.local [hbm:s3], $0xF7A  }
0x26: {  	[smem:$0x3F96] =	sst s1;
	(tag) =	ssettag s2;
	_ =	strace s9  }
0x27: {  	s1 =	sld [smem:$0x3FA6]  }
0x28: {  	s2 =	sld [smem:$0x3FA7]  }
0x29: {  	s4 =	sld [smem:$0x3FA9]  }
0x2a: {  	p0 =	seq.s32 s5, $0x0;
	s5 =	sld [smem:$0x3FAA]  }
0x2b: {  	s6 =	sld [smem:$0x3FAB]  }
0x2c: {  	s7 =	sld [smem:$0x3FAC]  }
0x2d: {  	s3 =	simm.s32 $0x108;
	s8 =	sld [smem:$0x3FAD]  }
0x2e: {  	s3 =	simm.s32 @!p0 $0x1082;
	s9 =	sld [smem:$0x3FAE]  }
0x2f: {  	lr =	sadd.s32 s0, s3;
	s0 =	sld [smem:$0x3FA5]  }
0x30: {  	s3 =	sld [smem:$0x3FA8]  }
0x31: {  	[smem:$0x3FB1] =	sst s10  }
0x32: {  	s10 =	sld [smem:$0x3FAF];
	_ =	sdelay $0x3  }
0x33: {  	p0 =	seq.s32 s10, $0x1;
	s10 =	sld [smem:$0x3FB1];
	_ =	sdelay $0x3  }
0x34: {  	[smem:$0x3FB1] =	sst s10  }
0x35: {  	s10 =	sld [smem:$0x3FB0];
	_ =	sdelay $0x3  }
0x36: {  	p1 =	seq.s32 s10, $0x1;
	s10 =	sld [smem:$0x3FB1];
	_ =	sdelay $0x3  }
0x37: {  	[smem:$0x3FB1] =	sst s10  }
0x38: {  	s10 =	sld [smem:$0x3FB2]  }
0x39: {  	_ = 	snop;
	(pc) =	sbr.ind lr, $3  }
0x3a: {  	_ = 	snop  }
0x3b: {  	_ = 	snop  }
0x3c: {  	p2 =	seq.s32 s10, $0x1;
	s10 =	sld [smem:$0x3FB1]  }
0x3d: {  	_ =	shalt  }
0x3e: {  	_ =	shalt  }
0x3f: {  	_ =	shalt  }
0x40: {  	_ =	shalt  }
0x41: {  	_ =	shalt  }
0x42: {  	_ =	shalt  }
0x43: {  	_ =	shalt  }
0x44: {  	_ =	shalt  }
0x45: {  	_ =	shalt  }
0x46: {  	_ =	shalt  }
0x47: {  	_ =	shalt  }
0x48: {  	_ =	shalt  }
0x49: {  	_ =	shalt  }
0x4a: {  	_ =	shalt  }
0x4b: {  	_ =	shalt  }
0x4c: {  	_ =	shalt  }
0x4d: {  	_ =	shalt  }
0x4e: {  	_ =	shalt  }
0x4f: {  	_ =	shalt  }
0x50: {  	_ =	shalt  }
0x51: {  	_ =	shalt  }
0x52: {  	_ =	shalt  }
0x53: {  	_ =	shalt  }
0x54: {  	_ =	shalt  }
0x55: {  	_ =	shalt  }
0x56: {  	_ =	shalt  }
0x57: {  	_ =	shalt  }
0x58: {  	_ =	shalt  }
0x59: {  	_ =	shalt  }
0x5a: {  	_ =	shalt  }
0x5b: {  	_ =	shalt  }
0x5c: {  	_ =	shalt  }
0x5d: {  	_ =	shalt  }
0x5e: {  	_ =	shalt  }
0x5f: {  	_ =	shalt  }
0x60: {  	_ =	shalt  }
0x61: {  	_ =	shalt  }
0x62: {  	_ =	shalt  }
0x63: {  	_ =	shalt  }
0x64: {  	_ =	shalt  }
0x65: {  	_ =	shalt  }
0x66: {  	_ =	shalt  }
0x67: {  	_ =	shalt  }
0x68: {  	_ =	shalt  }
0x69: {  	_ =	shalt  }
0x6a: {  	_ =	shalt  }
0x6b: {  	_ =	shalt  }
0x6c: {  	_ =	shalt  }
0x6d: {  	_ =	shalt  }
0x6e: {  	_ =	shalt  }
0x6f: {  	_ =	shalt  }
0x70: {  	_ =	shalt  }
0x71: {  	_ =	shalt  }
0x72: {  	_ =	shalt  }
0x73: {  	_ =	shalt  }
0x74: {  	_ =	shalt  }
0x75: {  	_ =	shalt  }
0x76: {  	_ =	shalt  }
0x77: {  	_ =	shalt  }
0x78: {  	_ =	shalt  }
0x79: {  	_ =	shalt  }
0x7a: {  	_ =	shalt  }
0x7b: {  	_ =	shalt  }
0x7c: {  	_ =	shalt  }
0x7d: {  	_ =	shalt  }
0x7e: {  	_ =	shalt  }
0x7f: {  	_ =	shalt  }
0x80: {  	_ =	shalt  }
0x81: {  	_ =	shalt  }
0x82: {  	_ =	shalt  }
0x83: {  	_ =	shalt  }
0x84: {  	_ =	shalt  }
0x85: {  	_ =	shalt  }
0x86: {  	_ =	shalt  }
0x87: {  	_ =	shalt  }
.Lfunc_end0:
.L_simem_size_0:
called_computation.1_lowered:
.L_overlay_start_0:
0x88: {  	s2 =	sld [smem:$0x3FD9]  }
0x89: {  	s3 =	sld [smem:$0x3FFE];
	_ =	sdelay $0x1  }
0x8a: {  	s1 =	srdreg.scid  }
0x8b: {  	s0 =	sand.u32 $0x1, s1  }
0x8c: {  	s17 =	sshll.u32 s0, $0xA;
	s2 =	sadd.s32 s3, s2  }
0x8d: {  	s2 =	sadd.s32 s2, s17  }
0x8e: {  	[smem:$0x3FBD] =	sst s2  }
0x8f: {  	_ = 	snop  }
0x90: {  	s2 =	sld [smem:$0x3FD0];
	(tm) =	ssettm $0x1  }
0x91: {  	s18 =	sld [smem:$0x3FFB];
	_ =	sdelay $0x3  }
0x92: {  	_ =	strace s18  }
0x93: {  	s3 =	sld [smem:$0x3FFC];
	_ =	sdelay $0x3  }
0x94: {  	_ =	strace s3  }
0x95: {  	s3 =	sld [smem:$0x3FFD];
	_ =	sdelay $0x3  }
0x96: {  	_ =	strace s3  }
0x97: {  	_ =	strace $0x8FFFFFFF  }
0x98: {  	s19 =	sld [smem:$0x3FDB];
	_ =	sdelay $0x1  }
0x99: {  	s4 =	simm.s32 $_scs_section_size  }
0x9a: {  	s5 =	simm.s32 $_size__tile_overlayer_lowered;
	s6 =	simm.s32 $_tile_overlayer_lowered  }
0x9b: {  	s22 =	simm.s32 $0x1BFF;
	s21 =	sshll.u32 s6, $0x1;
	s3 =	sadd.s32 s4, s19  }
0x9c: {  	s7 =	simm.s32 $0x0;
	s20 =	sshll.u32 s5, $0x1;
	s5 =	sadd.s32 s21, s3  }
0x9d: {  	[timem:s7], [sflag:s22] =	dma.local [hbm:s5], s20  }
0x9e: {  	_ =	swait.ge [sflag:s22], s20  }
0x9f: {  	s4 =	ssub.s32 $0x0, s20;
	[sflag:s22] =	ssyncset.done $0x0  }
0xa0: {  	[sflag:s22] =	ssyncadd.s32 s4;
	_ =	sdelay $0x1  }
0xa1: {  	s23 =	simm.s32 $0x1B8B  }
0xa2: {  	_ =	swait.ge [sflag:s23], $0x1  }
0xa3: {  	[sflag:s23] =	ssyncset.done $0x0  }
0xa4: {  	s25 =	simm.s32 $0x1B8E;
	s24 =	sld [smem:$0x3FFE];
	[sflag:s23] =	ssyncadd.s32 $0xFFFFFFFF  }
0xa5: {  	s26 =	simm.s32 $execute0_lowered;
	[smem:$0x3FD2] =	sst s25  }
0xa6: {  	s5 =	sshll.u32 s26, $0x1;
	_ =	strace $0x80000049;
	[dreg:$0x1] =	wrdreg $0xFFFFFFFF  }
0xa7: {  	s28 =	simm.s32 $_size_execute0_lowered;
	s3 =	sadd.s32 s3, s5;
	[dreg:$0x0] =	wrdreg $0x0  }
0xa8: {  	s5 =	sshll.u32 s28, $0x1;
	[dreg:$0x2] =	wrdreg s3  }
0xa9: {  	[dreg:$0x3] =	wrdreg s5  }
0xaa: {  	[dreg:$0x4] =	wrdreg $0xC0  }
0xab: {  	_ =	task [dreg:s7], $0x5FFFF  }
0xac: {  	[dreg:$0x1] =	wrdreg $0xFFFFFFFF  }
0xad: {  	[dreg:$0x0] =	wrdreg $0x60  }
0xae: {  	[dreg:$0x2] =	wrdreg s24  }
0xaf: {  	[dreg:$0x3] =	wrdreg s2  }
0xb0: {  	[dreg:$0x4] =	wrdreg $0x82000  }
0xb1: {  	[dreg:$0x5] =	wrdreg $0x9  }
0xb2: {  	_ =	task.clear_ibuf [dreg:s7], $0x6FFFF;
	_ =	strace $0x90000049  }
0xb3: {  	s29 =	simm.s32 $0x9;
	_ =	strace $0x8000004B  }
0xb4: {  	_ =	swait.ge [sflag:s29], $0x1  }
0xb5: {  	[sflag:s29] =	ssyncadd.s32 $0xFFFFFFFF  }
0xb6: {  	_ =	strace $0x9000004B  }
0xb7: {  	_ =	sfence  }
0xb8: {  	s30 =	sld [smem:$0x0];
	_ =	sdelay $0x2  }
0xb9: {  	s31 =	sshll.u32 s1, $0xD;
	s1 =	sshrl.u32 s1, $0x2  }
0xba: {  	s3 =	sand.u32 $0x4000, s31;
	s1 =	sadd.s32 s1, s30  }
0xbb: {  	s0 =	sor.u32 s3, s0;
	s1 =	sshll.u32 s1, $0x11  }
0xbc: {  	s0 =	sor.u32 s1, s0  }
0xbd: {  	s0 =	sadd.s32 $0x8F2B, s0  }
0xbe: {  	[sflag:s0] =	ssyncadd.remote.s32 $0x1  }
0xbf: {  	_ =	sfence.sel $0xFFFF  }
0xc0: {  	[dreg:$0x0] =	wrdreg $0xFFFFFFFF;
	(pc) =	sbr.abs _section_cstart, $3  }
0xc1: {  	[dreg:$0x1] =	wrdreg $0xFFFFFFFF  }
0xc2: {  	_ =	task.clear_ibuf [dreg:s7], $0x2FFFF;
	_ =	strace $0x9FFFFFFF  }
0xc3: {  	(tm) =	ssettm $0x7FFFFFFF  }
tec
execute0_lowered:
.L_overlay_start_1:
0x0: {  	(tag) =	ssettag $0x1  }
0x1: {  	s6 =	rddreg [dreg:$0x0]  }
0x2: {  	s1 =	rddreg [dreg:$0x1]  }
0x3: {  	s2 =	rddreg [dreg:$0x2]  }
0x4: {  	s0 =	rddreg [dreg:$0x3]  }
0x5: {  	s4 =	simm.s32 $0x0;
	s7 =	srdreg.scid;
	s3 =	stileid.u32  }
0x6: {  	s17 =	simm.s32 $0x2;
	s18 =	simm.s32 $0x80;
	s19 =	simm.s32 $0x180  }
0x7: {  	s20 =	simm.s32 $0x4200;
	s22 =	simm.s32 $0x6;
	s23 =	simm.s32 $0x0  }
0x8: {  	[smem:$0x7FF] =	sst s4;
	s5 =	sadd.s32 $0x30800, s6;
	s8 =	smul.u32 $0x4F000, s3  }
0x9: {  	s7 =	sand.u32 $0x1, s7;
	s12 =	sadd.s32 $0x1C800, s6;
	s14 =	smul.u32 $0x27800, s3  }
0xa: {  	s11 =	sadd.s32 $0x26800, s6;
	s15 =	sadd.s32 $0xCCC00, s6;
	s29 =	smul.u32 $0x2800, s3  }
0xb: {  	p0 =	seq.s32 s3, $0xF;
	_ =	strace $0x8000004A;
	s9 =	ssub.s32 $0x2, s7  }
0xc: {  	s10 =	smul.u32 $0x271000, s7;
	s13 =	sshrl.u32 s9, $0x1;
	s26 =	sshrl.u32 s8, $0x2  }
0xd: {  	s7 =	smul.u32 $0x28000, s7;
	s9 =	ssub.s32 s9, s13;
	s16 =	sadd.s32 s26, s2  }
0xe: {  	s28 =	sadd.s32 s14, s10;
	s13 =	sadd.s32 $0x128400, s2;
	s14 =	sshrl.u32 s14, $0x1  }
0xf: {  	s10 =	sshrl.u32 s10, $0x4;
	s8 =	sadd.s32 s29, s7;
	s6 =	sshrl.u32 s28, $0x4  }
0x10: {  	s21 =	sadd.s32 s14, s2;
	s10 =	sadd.s32 s15, s10;
	s30 =	sshrl.u32 s8, $0x3  }
.Ltmp0:
0x11: {  	s31 =	sor.u32 $0x80, s8;
	s8 =	smax.u32 s9, $0x1;
	(pc) =	sbr.rel .LBB2_1-.Ltmp0, $4  }
0x12: {  	s13 =	sshrl.u32 @p0 s13, $0x3;
	s16 =	sshrl.u32 @!p0 s16, $0x3;
	s7 =	sadd.s32 $0x25080, s10  }
0x13: {  	s9 =	sadd.s32 s30, s11;
	s14 =	sshrl.u32 s31, $0x3;
	s10 =	sadd.s32 s30, s12  }
0x14: {  	s11 =	sadd.s32 s14, s11;
	s12 =	sadd.s32 s14, s12;
	s14 =	sshll.u32 @!p0 s3, $0x6  }
0x15: {  	s6 =	sadd.s32 s15, s6;
	s21 =	sshrl.u32 @!p0 s21, $0x3;
	s15 =	sor.u32 @!p0 $0x1C05, s14  }
.LBB2_5:
0x16: {  	[bflag:$0x0] =	sbarrier.arrive $0xFFFF;
	s24 =	simm.s32 @p0 $0x1FC6  }
0x17: {  	[hbm:s7], [sflag:s24] =	dma.local @p0 [spmem:s13], $0x2080  }
0x18: {  	s24 =	simm.s32 @p0 $0x6  }
0x19: {  	_ =	swait.ge @p0 [sflag:s24], $0x2080  }
0x1a: {  	s23 =	sadd.s32 $0x1, s23;
	[sflag:s24] =	ssyncset.done @p0 $0x0  }
0x1b: {  	p1 =	sne.s32 s23, s8;
	[sflag:s24] =	ssyncadd.s32 @p0 $0xFFFFDF80;
	s24 =	sor.u32 @!p0 $0x1C06, s14  }
0x1c: {  	[hbm:s6], [sflag:s24] =	dma.local @!p0 [spmem:s21], $0x2780  }
.Ltmp1:
0x1d: {  	_ = 	snop;
	(pc) =	sbr.rel @!p1 .LBB2_6-.Ltmp1, $4  }
0x1e: {  	s24 =	simm.s32 @!p0 $0x6  }
0x1f: {  	_ =	swait.ge @!p0 [sflag:s24], $0x2780  }
0x20: {  	[sflag:s24] =	ssyncset.done @!p0 $0x0  }
0x21: {  	[sflag:s24] =	ssyncadd.s32 @!p0 $0xFFFFD880  }
.LBB2_1:
.Ltmp2:
0x22: {  	(pc) =	sbr.rel .LBB2_2-.Ltmp2, $4  }
0x23: {  	s24 =	simm.s32 @p0 $0x1FC5  }
0x24: {  	[spmem:s13], [sflag:s24] =	dma.local @p0 [hbm:s1], $0x2080  }
0x25: {  	s25 =	simm.s32 $0x0;
	s24 =	simm.s32 $0x1  }
0x26: {  	[spmem:s16], [sflag:s15] =	dma.local @!p0 [hbm:s1], $0x2780  }
.LBB2_4:
0x27: {  	p1 =	sgt.u32 s24, $0x50  }
0x28: {  	s26 =	simm.s32 @!p1 $0x1  }
0x29: {  	_ =	swait.ge @!p1 [sflag:s26], $0x4000  }
0x2a: {  	s25 =	sadd.s32 $0x20, s25;
	s28 =	simm.s32 @!p1 $0x100;
	[sflag:s26] =	ssyncset.done @!p1 $0x0  }
0x2b: {  	s29 =	simm.s32 @!p1 $0x200;
	[sflag:s26] =	ssyncadd.s32 @!p1 $0xFFFFC000;
	s26 =	simm.s32 @!p1 $0x80  }
0x2c: {  	[spmem:s2] =	stream.indirect.scatter.add.bf16 @!p1 [tilespmem:s29], [sflag:$0x3], $0x80, s28, s26, $0xb8;
	[tilespmem:$0x1C280] =	vst v63  }
0x2d: {  	p1 =	sne.s32 s25, $0x520  }
.Ltmp3:
0x2e: {  	_ = 	snop;
	(pc) =	sbr.rel @!p1 .LBB2_5-.Ltmp3, $2  }
0x2f: {  	_ =	sdelay $0x2  }
0x30: {  	s24 =	sadd.s32 $0x2, s24  }
.LBB2_2:
0x31: {  	p1 =	seq.s32 s25, $0x0  }
0x32: {  	s26 =	simm.s32 @!p1 $0x3  }
0x33: {  	p2 =	seq.s32 @!p1 s25, $0x500;
	_ =	swait.ge @!p1 [sflag:s26], $0x4000  }
0x34: {  	p2 =	por p1, !p2;
	[sflag:s26] =	ssyncset.done @!p1 $0x0  }
0x35: {  	s28 =	simm.s32 @p2 $0x0;
	[sflag:s26] =	ssyncadd.s32 @!p1 $0xFFFFC000;
	s26 =	sadd.s32 @p2 s25, s10  }
0x36: {  	[tilespmem:s28], [sflag:$0x6] =	stream.linear.gather @p2 [hbm4b:s26+s28], $0x80, $0x38;
	[tilespmem:$0x1C280] =	vst v63  }
0x37: {  	s26 =	simm.s32 @p2 $0x6  }
0x38: {  	_ =	swait.ge @p2 [sflag:s26], $0x80  }
0x39: {  	[sflag:s26] =	ssyncset.done @p2 $0x0  }
0x3a: {  	s29 =	sadd.s32 @p2 s25, s9;
	s30 =	simm.s32 @p2 $0x100;
	[sflag:s26] =	ssyncadd.s32 @p2 $0xFFFFFF80  }
0x3b: {  	[tilespmem:s30], [sflag:$0x6] =	stream.linear.gather @p2 [hbm4b:s29+s28], $0x80, $0x38;
	[tilespmem:$0x1C280] =	vst v63  }
0x3c: {  	_ =	swait.ge @p2 [sflag:s26], $0x80  }
0x3d: {  	[sflag:s26] =	ssyncset.done @p2 $0x0  }
0x3e: {  	s29 =	simm.s32 @p2 $0x200;
	[sflag:s26] =	ssyncadd.s32 @p2 $0xFFFFFF80;
	s26 =	simm.s32 @p2 $0x80  }
0x3f: {  	[tilespmem:s29], [sflag:$0x1] =	stream.indirect.gather @p2 [hbm4b:s5+s26], $0x80, s28, s26, $0xb8;
	[tilespmem:$0x1C280] =	vst v63  }
0x40: {  	s26 =	sadd.s32 @p2 $0xFFFFFFFD, s24  }
0x41: {  	p3 =	sgt.u32 @p2 s26, $0x4F  }
0x42: {  	p3 =	por !p2, !p3  }
0x43: {  	_ =	swait.ge @p3 [sflag:s17], $0x4000  }
0x44: {  	[sflag:s17] =	ssyncset.done @p3 $0x0  }
.Ltmp4:
0x45: {  	s26 =	simm.s32 @!p1 $0x4;
	[sflag:s17] =	ssyncadd.s32 @p3 $0xFFFFC000;
	(pc) =	sbr.rel @!p2 .LBB2_4-.Ltmp4, $4  }
0x46: {  	[spmem:s2] =	stream.indirect.scatter.add.bf16 @p3 [tilespmem:s20], [sflag:$0x4], $0x80, s19, s18, $0xb8;
	[tilespmem:$0x1C280] =	vst v63  }
0x47: {  	_ =	swait.ge @!p1 [sflag:s26], $0x4000  }
0x48: {  	[sflag:s26] =	ssyncset.done @!p1 $0x0  }
0x49: {  	[sflag:s26] =	ssyncadd.s32 @!p1 $0xFFFFC000  }
0x4a: {  	s26 =	sadd.s32 s25, s12  }
0x4b: {  	[tilespmem:s18], [sflag:$0x6] =	stream.linear.gather [hbm4b:s26+s4], $0x80, $0x38;
	[tilespmem:$0x1C280] =	vst v63  }
0x4c: {  	_ =	swait.ge [sflag:s22], $0x80  }
0x4d: {  	[sflag:s22] =	ssyncset.done $0x0  }
0x4e: {  	s31 =	sadd.s32 s25, s11;
	p1 =	sne.s32 s25, $0x0;
	[sflag:s22] =	ssyncadd.s32 $0xFFFFFF80  }
0x4f: {  	[tilespmem:s19], [sflag:$0x6] =	stream.linear.gather [hbm4b:s31+s4], $0x80, $0x38;
	[tilespmem:$0x1C280] =	vst v63  }
0x50: {  	p2 =	seq.s32 @!p1 s3, $0xF;
	_ =	swait.ge [sflag:s22], $0x80  }
0x51: {  	p3 =	por !p2, p1;
	[sflag:s22] =	ssyncset.done $0x0  }
0x52: {  	s26 =	simm.s32 @!p3 $0x5;
	[sflag:s22] =	ssyncadd.s32 $0xFFFFFF80  }
0x53: {  	[tilespmem:s20], [sflag:$0x2] =	stream.indirect.gather [hbm4b:s5+s18], $0x80, s18, s18, $0xb8;
	[tilespmem:$0x1C280] =	vst v63  }
0x54: {  	_ =	swait.ge @!p3 [sflag:s26], $0x2080  }
0x55: {  	p2 =	por p2, p1;
	[sflag:s26] =	ssyncset.done @!p3 $0x0  }
0x56: {  	[sflag:s26] =	ssyncadd.s32 @!p3 $0xFFFFDF80;
	s26 =	simm.s32 @!p2 $0x5  }
.Ltmp5:
0x57: {  	_ =	swait.ge @!p2 [sflag:s26], $0x2780;
	(pc) =	sbr.rel .LBB2_4-.Ltmp5, $3  }
0x58: {  	[sflag:s26] =	ssyncset.done @!p2 $0x0  }
0x59: {  	[sflag:s26] =	ssyncadd.s32 @!p2 $0xFFFFD880  }
0x5a: {  	[bflag:$0x0] =	sbarrier.arrive @!p1 $0xFFFF;
	_ =	sdelay $0x1  }
.LBB2_6:
0x5b: {  	_ =	sfence.sel $0x180000  }
0x5c: {  	[bflag:$0x0] =	sbarrier.arrive $0xFFFF  }
0x5d: {  	p0 =	sne.s32 s3, $0x0;
	_ =	strace $0x9000004A  }
0x5e: {  	s0 =	sadd.s32 @!p0 $0x100000, s0;
	[bflag:$0x2] =	sbarrier.arrive $0xFFFF  }
0x5f: {  	[sflag:s0] =	ssyncadd.tile.s32 @!p0 $0x1;
	_ =	shalt  }
.Lfunc_end2:
_tile_overlayer_lowered:
.L_overlay_start_2:
0x60: {  	(tag) =	ssettag $0x2  }
0x61: {  	s0 =	rddreg [dreg:$0x0];
	s2 =	stileid.u32  }
0x62: {  	s1 =	rddreg [dreg:$0x1];
	p0 =	sne.s32 s2, $0x0  }
0x63: {  	s3 =	rddreg [dreg:$0x2];
	[bflag:$0x3] =	sbarrier.arrive $0xFFFF;
	s2 =	simm.s32 @!p0 $0x1C06  }
0x64: {  	[timem:s3], [sflag:s2] =	dma.local @!p0 [hbm:s0], s1  }
0x65: {  	s0 =	simm.s32 @!p0 $0x6  }
0x66: {  	_ =	swait.ge @!p0 [sflag:s0], s1  }
0x67: {  	s1 =	ssub.s32 @!p0 $0x0, s1;
	[sflag:s0] =	ssyncset.done @!p0 $0x0  }
0x68: {  	[sflag:s0] =	ssyncadd.s32 @!p0 s1  }
0x69: {  	[bflag:$0x3] =	sbarrier.arrive $0xFFFF  }
0x6a: {  	_ =	shalt  }

// kernel: kernel.14.cloned.1.call-start
scs
__scs_entry_jumppad:
0x0: {  	(pc) =	sbr.rel $0x88, $3  }
0x1: {  	(tag) =	ssettag $0x0;
	lr =	simm.s32 $0x1  }
0x2: {  	[smem:$0x3F96] =	sst lr;
	_ =	strace $0xD0000000  }
0x3: {  	_ = 	snop  }
0x4: {  	_ = 	snop  }
0x5: {  	_ = 	snop  }
0x6: {  	_ = 	snop  }
0x7: {  	_ = 	snop  }
__scs_overlays_trampoline_lowered:
0x8: {  	[smem:$0x3FA5] =	sst s0  }
0x9: {  	[smem:$0x3FA6] =	sst s1  }
0xa: {  	[smem:$0x3FA7] =	sst s2  }
0xb: {  	[smem:$0x3FA8] =	sst s3  }
0xc: {  	[smem:$0x3FA9] =	sst s4  }
0xd: {  	[smem:$0x3FAA] =	sst s5  }
0xe: {  	[smem:$0x3FAB] =	sst s6  }
0xf: {  	[smem:$0x3FAC] =	sst s7  }
0x10: {  	[smem:$0x3FAD] =	sst s8  }
0x11: {  	[smem:$0x3FAE] =	sst s9;
	s0 =	simm.s32 @!p0 $0x0  }
0x12: {  	s1 =	sld [smem:$0x3F94];
	s0 =	simm.s32 @p0 $0x1  }
0x13: {  	[smem:$0x3FAF] =	sst s0;
	s0 =	simm.s32 @!p1 $0x0  }
0x14: {  	s2 =	sld [smem:$0x3F93];
	s0 =	simm.s32 @p1 $0x1  }
0x15: {  	[smem:$0x3FB0] =	sst s0;
	s0 =	simm.s32 @!p2 $0x0  }
0x16: {  	s3 =	sld [smem:$0x3FDB];
	s0 =	simm.s32 @p2 $0x1  }
0x17: {  	s4 =	simm.s32 $0x1BF5;
	[smem:$0x3FB2] =	sst s0  }
0x18: {  	s0 =	sld [smem:$0x3F95];
	_ =	swait.ge [sflag:s4], $0x0  }
0x19: {  	s7 =	sld [smem:$0x3F96]  }
0x1a: {  	s8 =	sadd.s32 $0xFFFFE003, lr  }
0x1b: {  	s9 =	sadd.s32 $0xFFFFFEF7, lr;
	s5 =	simm.s32 $0xFFFFFFFF;
	p2 =	slt.u32 s8, $0xFFFFF086  }
0x1c: {  	p1 =	slt.u32 s9, $0xF7A;
	s5 =	simm.s32 @!p2 $0x0  }
0x1d: {  	s5 =	simm.s32 @p1 $0x1;
	p0 =	seq.s32 s7, s2  }
0x1e: {  	s7 =	smul.u32 @!p0 $0xF7A, s2;
	p2 =	seq.s32 @!p0 s5, $0x0  }
0x1f: {  	s9 =	smul.u32 $0xF7A, s1;
	s8 =	simm.s32 @!p0 $0x1BF5;
	p2 =	por !p2, p0  }
0x20: {  	[sflag:s8] =	ssyncset.s32 @!p0 $0xFFFFF086;
	s6 =	sadd.s32 @!p0 s3, s7;
	s7 =	simm.s32 @!p0 $0x108  }
0x21: {  	s3 =	sadd.s32 s3, s9;
	s6 =	sadd.s32 @!p0 $0x88, s6;
	s7 =	simm.s32 @p2 $0x1082  }
0x22: {  	[simem:s7], [sflag:s8] =	dma.local @!p0 [hbm:s6], $0xF7A  }
0x23: {  	s9 =	sor.u32 $0xD0000000, s2;
	s6 =	simm.s32 $0x108;
	_ =	swait.ge @!p0 [sflag:s8], $0x0  }
0x24: {  	s3 =	sadd.s32 $0x88, s3;
	s6 =	simm.s32 @!p1 $0x1082;
	[sflag:s4] =	ssyncset.s32 $0xFFFFF086  }
0x25: {  	[simem:s6], [sflag:s4] =	dma.local [hbm:s3], $0xF7A  }
0x26: {  	[smem:$0x3F96] =	sst s1;
	(tag) =	ssettag s2;
	_ =	strace s9  }
0x27: {  	s1 =	sld [smem:$0x3FA6]  }
0x28: {  	s2 =	sld [smem:$0x3FA7]  }
0x29: {  	s4 =	sld [smem:$0x3FA9]  }
0x2a: {  	p0 =	seq.s32 s5, $0x0;
	s5 =	sld [smem:$0x3FAA]  }
0x2b: {  	s6 =	sld [smem:$0x3FAB]  }
0x2c: {  	s7 =	sld [smem:$0x3FAC]  }
0x2d: {  	s3 =	simm.s32 $0x108;
	s8 =	sld [smem:$0x3FAD]  }
0x2e: {  	s3 =	simm.s32 @!p0 $0x1082;
	s9 =	sld [smem:$0x3FAE]  }
0x2f: {  	lr =	sadd.s32 s0, s3;
	s0 =	sld [smem:$0x3FA5]  }
0x30: {  	s3 =	sld [smem:$0x3FA8]  }
0x31: {  	[smem:$0x3FB1] =	sst s10  }
0x32: {  	s10 =	sld [smem:$0x3FAF];
	_ =	sdelay $0x3  }
0x33: {  	p0 =	seq.s32 s10, $0x1;
	s10 =	sld [smem:$0x3FB1];
	_ =	sdelay $0x3  }
0x34: {  	[smem:$0x3FB1] =	sst s10  }
0x35: {  	s10 =	sld [smem:$0x3FB0];
	_ =	sdelay $0x3  }
0x36: {  	p1 =	seq.s32 s10, $0x1;
	s10 =	sld [smem:$0x3FB1];
	_ =	sdelay $0x3  }
0x37: {  	[smem:$0x3FB1] =	sst s10  }
0x38: {  	s10 =	sld [smem:$0x3FB2]  }
0x39: {  	_ = 	snop;
	(pc) =	sbr.ind lr, $3  }
0x3a: {  	_ = 	snop  }
0x3b: {  	_ = 	snop  }
0x3c: {  	p2 =	seq.s32 s10, $0x1;
	s10 =	sld [smem:$0x3FB1]  }
0x3d: {  	_ =	shalt  }
0x3e: {  	_ =	shalt  }
0x3f: {  	_ =	shalt  }
0x40: {  	_ =	shalt  }
0x41: {  	_ =	shalt  }
0x42: {  	_ =	shalt  }
0x43: {  	_ =	shalt  }
0x44: {  	_ =	shalt  }
0x45: {  	_ =	shalt  }
0x46: {  	_ =	shalt  }
0x47: {  	_ =	shalt  }
0x48: {  	_ =	shalt  }
0x49: {  	_ =	shalt  }
0x4a: {  	_ =	shalt  }
0x4b: {  	_ =	shalt  }
0x4c: {  	_ =	shalt  }
0x4d: {  	_ =	shalt  }
0x4e: {  	_ =	shalt  }
0x4f: {  	_ =	shalt  }
0x50: {  	_ =	shalt  }
0x51: {  	_ =	shalt  }
0x52: {  	_ =	shalt  }
0x53: {  	_ =	shalt  }
0x54: {  	_ =	shalt  }
0x55: {  	_ =	shalt  }
0x56: {  	_ =	shalt  }
0x57: {  	_ =	shalt  }
0x58: {  	_ =	shalt  }
0x59: {  	_ =	shalt  }
0x5a: {  	_ =	shalt  }
0x5b: {  	_ =	shalt  }
0x5c: {  	_ =	shalt  }
0x5d: {  	_ =	shalt  }
0x5e: {  	_ =	shalt  }
0x5f: {  	_ =	shalt  }
0x60: {  	_ =	shalt  }
0x61: {  	_ =	shalt  }
0x62: {  	_ =	shalt  }
0x63: {  	_ =	shalt  }
0x64: {  	_ =	shalt  }
0x65: {  	_ =	shalt  }
0x66: {  	_ =	shalt  }
0x67: {  	_ =	shalt  }
0x68: {  	_ =	shalt  }
0x69: {  	_ =	shalt  }
0x6a: {  	_ =	shalt  }
0x6b: {  	_ =	shalt  }
0x6c: {  	_ =	shalt  }
0x6d: {  	_ =	shalt  }
0x6e: {  	_ =	shalt  }
0x6f: {  	_ =	shalt  }
0x70: {  	_ =	shalt  }
0x71: {  	_ =	shalt  }
0x72: {  	_ =	shalt  }
0x73: {  	_ =	shalt  }
0x74: {  	_ =	shalt  }
0x75: {  	_ =	shalt  }
0x76: {  	_ =	shalt  }
0x77: {  	_ =	shalt  }
0x78: {  	_ =	shalt  }
0x79: {  	_ =	shalt  }
0x7a: {  	_ =	shalt  }
0x7b: {  	_ =	shalt  }
0x7c: {  	_ =	shalt  }
0x7d: {  	_ =	shalt  }
0x7e: {  	_ =	shalt  }
0x7f: {  	_ =	shalt  }
0x80: {  	_ =	shalt  }
0x81: {  	_ =	shalt  }
0x82: {  	_ =	shalt  }
0x83: {  	_ =	shalt  }
0x84: {  	_ =	shalt  }
0x85: {  	_ =	shalt  }
0x86: {  	_ =	shalt  }
0x87: {  	_ =	shalt  }
.Lfunc_end0:
.L_simem_size_0:
called_computation.2_lowered:
.L_overlay_start_0:
0x88: {  	s2 =	sld [smem:$0x3FD9]  }
0x89: {  	s3 =	sld [smem:$0x3FFE];
	_ =	sdelay $0x1  }
0x8a: {  	s1 =	srdreg.scid  }
0x8b: {  	s0 =	sand.u32 $0x1, s1  }
0x8c: {  	s17 =	sshll.u32 s0, $0xA;
	s2 =	sadd.s32 s3, s2  }
0x8d: {  	s2 =	sadd.s32 s2, s17  }
0x8e: {  	[smem:$0x3FBD] =	sst s2  }
0x8f: {  	_ = 	snop  }
0x90: {  	s2 =	sld [smem:$0x3FD0];
	(tm) =	ssettm $0x1  }
0x91: {  	s18 =	sld [smem:$0x3FFB];
	_ =	sdelay $0x3  }
0x92: {  	_ =	strace s18  }
0x93: {  	s3 =	sld [smem:$0x3FFC];
	_ =	sdelay $0x3  }
0x94: {  	_ =	strace s3  }
0x95: {  	s3 =	sld [smem:$0x3FFD];
	_ =	sdelay $0x3  }
0x96: {  	_ =	strace s3  }
0x97: {  	_ =	strace $0x8FFFFFFF  }
0x98: {  	s19 =	sld [smem:$0x3FDB];
	_ =	sdelay $0x1  }
0x99: {  	s4 =	simm.s32 $_scs_section_size  }
0x9a: {  	s5 =	simm.s32 $_size__tile_overlayer_lowered;
	s6 =	simm.s32 $_tile_overlayer_lowered  }
0x9b: {  	s22 =	simm.s32 $0x1BFF;
	s21 =	sshll.u32 s6, $0x1;
	s3 =	sadd.s32 s4, s19  }
0x9c: {  	s7 =	simm.s32 $0x0;
	s20 =	sshll.u32 s5, $0x1;
	s5 =	sadd.s32 s21, s3  }
0x9d: {  	[timem:s7], [sflag:s22] =	dma.local [hbm:s5], s20  }
0x9e: {  	_ =	swait.ge [sflag:s22], s20  }
0x9f: {  	s4 =	ssub.s32 $0x0, s20;
	[sflag:s22] =	ssyncset.done $0x0  }
0xa0: {  	[sflag:s22] =	ssyncadd.s32 s4;
	_ =	sdelay $0x1  }
0xa1: {  	s23 =	simm.s32 $0x1B8B  }
0xa2: {  	_ =	swait.ge [sflag:s23], $0x1  }
0xa3: {  	[sflag:s23] =	ssyncset.done $0x0  }
0xa4: {  	s25 =	simm.s32 $0x1B8E;
	s24 =	sld [smem:$0x3FFE];
	[sflag:s23] =	ssyncadd.s32 $0xFFFFFFFF  }
0xa5: {  	s26 =	simm.s32 $execute0_lowered;
	[smem:$0x3FD2] =	sst s25  }
0xa6: {  	s5 =	sshll.u32 s26, $0x1;
	_ =	strace $0x8000004C;
	[dreg:$0x1] =	wrdreg $0xFFFFFFFF  }
0xa7: {  	s28 =	simm.s32 $_size_execute0_lowered;
	s3 =	sadd.s32 s3, s5;
	[dreg:$0x0] =	wrdreg $0x0  }
0xa8: {  	s5 =	sshll.u32 s28, $0x1;
	[dreg:$0x2] =	wrdreg s3  }
0xa9: {  	[dreg:$0x3] =	wrdreg s5  }
0xaa: {  	[dreg:$0x4] =	wrdreg $0xC0  }
0xab: {  	_ =	task [dreg:s7], $0x5FFFF  }
0xac: {  	[dreg:$0x1] =	wrdreg $0xFFFFFFFF  }
0xad: {  	[dreg:$0x0] =	wrdreg $0x60  }
0xae: {  	[dreg:$0x2] =	wrdreg s2  }
0xaf: {  	[dreg:$0x3] =	wrdreg s24  }
0xb0: {  	[dreg:$0x4] =	wrdreg $0x32000  }
0xb1: {  	[dreg:$0x5] =	wrdreg $0x9  }
0xb2: {  	_ =	task.clear_ibuf [dreg:s7], $0x6FFFF;
	_ =	strace $0x9000004C  }
0xb3: {  	s29 =	simm.s32 $0x9;
	_ =	strace $0x8000004E  }
0xb4: {  	_ =	swait.ge [sflag:s29], $0x1  }
0xb5: {  	[sflag:s29] =	ssyncadd.s32 $0xFFFFFFFF  }
0xb6: {  	_ =	strace $0x9000004E  }
0xb7: {  	_ =	sfence  }
0xb8: {  	s30 =	sld [smem:$0x0];
	_ =	sdelay $0x2  }
0xb9: {  	s31 =	sshll.u32 s1, $0xD;
	s1 =	sshrl.u32 s1, $0x2  }
0xba: {  	s3 =	sand.u32 $0x4000, s31;
	s1 =	sadd.s32 s1, s30  }
0xbb: {  	s0 =	sor.u32 s3, s0;
	s1 =	sshll.u32 s1, $0x11  }
0xbc: {  	s0 =	sor.u32 s1, s0  }
0xbd: {  	s0 =	sadd.s32 $0x8F2B, s0  }
0xbe: {  	[sflag:s0] =	ssyncadd.remote.s32 $0x1  }
0xbf: {  	_ =	sfence.sel $0xFFFF  }
0xc0: {  	[dreg:$0x0] =	wrdreg $0xFFFFFFFF;
	(pc) =	sbr.abs _section_cstart, $3  }
0xc1: {  	[dreg:$0x1] =	wrdreg $0xFFFFFFFF  }
0xc2: {  	_ =	task.clear_ibuf [dreg:s7], $0x2FFFF;
	_ =	strace $0x9FFFFFFF  }
0xc3: {  	(tm) =	ssettm $0x7FFFFFFF  }
tec
execute0_lowered:
.L_overlay_start_1:
0x0: {  	(tag) =	ssettag $0x1  }
0x1: {  	s1 =	rddreg [dreg:$0x0]  }
0x2: {  	s6 =	rddreg [dreg:$0x1]  }
0x3: {  	s2 =	rddreg [dreg:$0x2]  }
0x4: {  	s0 =	rddreg [dreg:$0x3];
	s4 =	simm.s32 $0x0;
	s5 =	srdreg.scid  }
0x5: {  	s3 =	stileid.u32;
	s17 =	simm.s32 $0x2;
	s18 =	simm.s32 $0x80  }
0x6: {  	s19 =	simm.s32 $0x180;
	s20 =	simm.s32 $0x1A00;
	s22 =	simm.s32 $0x6  }
0x7: {  	s23 =	simm.s32 $0x0;
	[smem:$0x7FF] =	sst s4;
	s8 =	smul.u32 $0x1DA00, s3  }
0x8: {  	s7 =	sand.u32 $0x1, s5;
	s12 =	sadd.s32 $0x1C800, s6;
	s14 =	smul.u32 $0x7680, s3  }
0x9: {  	s11 =	sadd.s32 $0x26800, s6;
	s5 =	sadd.s32 $0x2600, s6;
	s29 =	smul.u32 $0x2800, s3  }
0xa: {  	s15 =	sadd.s32 $0x7EA00, s6;
	p0 =	seq.s32 s3, $0xF;
	s10 =	smul.u32 $0x75300, s7  }
0xb: {  	_ =	strace $0x8000004D;
	s9 =	ssub.s32 $0x2, s7;
	s7 =	smul.u32 $0x28000, s7  }
0xc: {  	s13 =	sshrl.u32 s9, $0x1;
	s25 =	sshrl.u32 s8, $0x2;
	s21 =	sadd.s32 s14, s2  }
0xd: {  	s9 =	ssub.s32 s9, s13;
	s26 =	sadd.s32 s14, s10;
	s16 =	sadd.s32 s25, s2  }
0xe: {  	s13 =	sadd.s32 $0x6F180, s2;
	s10 =	sshrl.u32 s10, $0x3;
	s8 =	sadd.s32 s29, s7  }
0xf: {  	s21 =	sshrl.u32 @!p0 s21, $0x3;
	s28 =	sshrl.u32 s26, $0x3;
	s10 =	sadd.s32 s15, s10  }
.Ltmp0:
0x10: {  	s30 =	sshrl.u32 s8, $0x3;
	s31 =	sor.u32 $0x80, s8;
	(pc) =	sbr.rel .LBB2_1-.Ltmp0, $4  }
0x11: {  	s8 =	smax.u32 s9, $0x1;
	s13 =	sshrl.u32 @p0 s13, $0x3;
	s7 =	sadd.s32 $0xDE30, s10  }
0x12: {  	s9 =	sadd.s32 s30, s11;
	s14 =	sshrl.u32 s31, $0x3;
	s10 =	sadd.s32 s30, s12  }
0x13: {  	s11 =	sadd.s32 s14, s11;
	s12 =	sadd.s32 s14, s12;
	s14 =	sshll.u32 @!p0 s3, $0x6  }
0x14: {  	s16 =	sshrl.u32 @!p0 s16, $0x3;
	s6 =	sadd.s32 s15, s28;
	s15 =	sor.u32 @!p0 $0x1C05, s14  }
.LBB2_5:
0x15: {  	[bflag:$0x0] =	sbarrier.arrive $0xFFFF;
	s24 =	simm.s32 @p0 $0x1FC6  }
0x16: {  	[hbm:s7], [sflag:s24] =	dma.local @p0 [spmem:s13], $0xC30  }
0x17: {  	s24 =	simm.s32 @p0 $0x6  }
0x18: {  	_ =	swait.ge @p0 [sflag:s24], $0xC30  }
0x19: {  	s23 =	sadd.s32 $0x1, s23;
	[sflag:s24] =	ssyncset.done @p0 $0x0  }
0x1a: {  	p1 =	sne.s32 s23, s8;
	[sflag:s24] =	ssyncadd.s32 @p0 $0xFFFFF3D0;
	s24 =	sor.u32 @!p0 $0x1C06, s14  }
0x1b: {  	[hbm:s6], [sflag:s24] =	dma.local @!p0 [spmem:s21], $0xED0  }
.Ltmp1:
0x1c: {  	_ = 	snop;
	(pc) =	sbr.rel @!p1 .LBB2_6-.Ltmp1, $4  }
0x1d: {  	s24 =	simm.s32 @!p0 $0x6  }
0x1e: {  	_ =	swait.ge @!p0 [sflag:s24], $0xED0  }
0x1f: {  	[sflag:s24] =	ssyncset.done @!p0 $0x0  }
0x20: {  	[sflag:s24] =	ssyncadd.s32 @!p0 $0xFFFFF130  }
.LBB2_1:
.Ltmp2:
0x21: {  	(pc) =	sbr.rel .LBB2_2-.Ltmp2, $4  }
0x22: {  	s24 =	simm.s32 @p0 $0x1FC5  }
0x23: {  	[spmem:s13], [sflag:s24] =	dma.local @p0 [hbm:s5], $0xC30  }
0x24: {  	s25 =	simm.s32 $0x0;
	s24 =	simm.s32 $0x1  }
0x25: {  	[spmem:s16], [sflag:s15] =	dma.local @!p0 [hbm:s5], $0xED0  }
.LBB2_4:
0x26: {  	p1 =	sgt.u32 s24, $0x50  }
0x27: {  	s26 =	simm.s32 @!p1 $0x1  }
0x28: {  	_ =	swait.ge @!p1 [sflag:s26], $0x1800  }
0x29: {  	s25 =	sadd.s32 $0x20, s25;
	s28 =	simm.s32 @!p1 $0x100;
	[sflag:s26] =	ssyncset.done @!p1 $0x0  }
0x2a: {  	s29 =	simm.s32 @!p1 $0x200;
	[sflag:s26] =	ssyncadd.s32 @!p1 $0xFFFFE800;
	s26 =	simm.s32 @!p1 $0x80  }
0x2b: {  	[spmem:s2] =	stream.indirect.scatter.add.f32 @!p1 [tilespmem:s29], [sflag:$0x3], $0x30, s28, s26, $0xb8;
	[tilespmem:$0xAA30] =	vst v63  }
0x2c: {  	p1 =	sne.s32 s25, $0x520  }
.Ltmp3:
0x2d: {  	_ = 	snop;
	(pc) =	sbr.rel @!p1 .LBB2_5-.Ltmp3, $2  }
0x2e: {  	_ =	sdelay $0x2  }
0x2f: {  	s24 =	sadd.s32 $0x2, s24  }
.LBB2_2:
0x30: {  	p1 =	seq.s32 s25, $0x0  }
0x31: {  	s26 =	simm.s32 @!p1 $0x3  }
0x32: {  	p2 =	seq.s32 @!p1 s25, $0x500;
	_ =	swait.ge @!p1 [sflag:s26], $0x1800  }
0x33: {  	p2 =	por p1, !p2;
	[sflag:s26] =	ssyncset.done @!p1 $0x0  }
0x34: {  	s28 =	simm.s32 @p2 $0x0;
	[sflag:s26] =	ssyncadd.s32 @!p1 $0xFFFFE800;
	s26 =	sadd.s32 @p2 s25, s10  }
0x35: {  	[tilespmem:s28], [sflag:$0x6] =	stream.linear.gather @p2 [hbm4b:s26+s28], $0x80, $0x38;
	[tilespmem:$0xAA30] =	vst v63  }
0x36: {  	s26 =	simm.s32 @p2 $0x6  }
0x37: {  	_ =	swait.ge @p2 [sflag:s26], $0x80  }
0x38: {  	[sflag:s26] =	ssyncset.done @p2 $0x0  }
0x39: {  	s29 =	sadd.s32 @p2 s25, s9;
	s30 =	simm.s32 @p2 $0x100;
	[sflag:s26] =	ssyncadd.s32 @p2 $0xFFFFFF80  }
0x3a: {  	[tilespmem:s30], [sflag:$0x6] =	stream.linear.gather @p2 [hbm4b:s29+s28], $0x80, $0x38;
	[tilespmem:$0xAA30] =	vst v63  }
0x3b: {  	_ =	swait.ge @p2 [sflag:s26], $0x80  }
0x3c: {  	[sflag:s26] =	ssyncset.done @p2 $0x0  }
0x3d: {  	s29 =	simm.s32 @p2 $0x200;
	[sflag:s26] =	ssyncadd.s32 @p2 $0xFFFFFF80;
	s26 =	simm.s32 @p2 $0x80  }
0x3e: {  	[tilespmem:s29], [sflag:$0x1] =	stream.indirect.gather @p2 [hbm4b:s1+s26], $0x30, s28, s26, $0xb8;
	[tilespmem:$0xAA30] =	vst v63  }
0x3f: {  	s26 =	sadd.s32 @p2 $0xFFFFFFFD, s24  }
0x40: {  	p3 =	sgt.u32 @p2 s26, $0x4F  }
0x41: {  	p3 =	por !p2, !p3  }
0x42: {  	_ =	swait.ge @p3 [sflag:s17], $0x1800  }
0x43: {  	[sflag:s17] =	ssyncset.done @p3 $0x0  }
.Ltmp4:
0x44: {  	s26 =	simm.s32 @!p1 $0x4;
	[sflag:s17] =	ssyncadd.s32 @p3 $0xFFFFE800;
	(pc) =	sbr.rel @!p2 .LBB2_4-.Ltmp4, $4  }
0x45: {  	[spmem:s2] =	stream.indirect.scatter.add.f32 @p3 [tilespmem:s20], [sflag:$0x4], $0x30, s19, s18, $0xb8;
	[tilespmem:$0xAA30] =	vst v63  }
0x46: {  	_ =	swait.ge @!p1 [sflag:s26], $0x1800  }
0x47: {  	[sflag:s26] =	ssyncset.done @!p1 $0x0  }
0x48: {  	[sflag:s26] =	ssyncadd.s32 @!p1 $0xFFFFE800  }
0x49: {  	s26 =	sadd.s32 s25, s12  }
0x4a: {  	[tilespmem:s18], [sflag:$0x6] =	stream.linear.gather [hbm4b:s26+s4], $0x80, $0x38;
	[tilespmem:$0xAA30] =	vst v63  }
0x4b: {  	_ =	swait.ge [sflag:s22], $0x80  }
0x4c: {  	[sflag:s22] =	ssyncset.done $0x0  }
0x4d: {  	s31 =	sadd.s32 s25, s11;
	p1 =	sne.s32 s25, $0x0;
	[sflag:s22] =	ssyncadd.s32 $0xFFFFFF80  }
0x4e: {  	[tilespmem:s19], [sflag:$0x6] =	stream.linear.gather [hbm4b:s31+s4], $0x80, $0x38;
	[tilespmem:$0xAA30] =	vst v63  }
0x4f: {  	p2 =	seq.s32 @!p1 s3, $0xF;
	_ =	swait.ge [sflag:s22], $0x80  }
0x50: {  	p3 =	por !p2, p1;
	[sflag:s22] =	ssyncset.done $0x0  }
0x51: {  	s26 =	simm.s32 @!p3 $0x5;
	[sflag:s22] =	ssyncadd.s32 $0xFFFFFF80  }
0x52: {  	[tilespmem:s20], [sflag:$0x2] =	stream.indirect.gather [hbm4b:s1+s18], $0x30, s18, s18, $0xb8;
	[tilespmem:$0xAA30] =	vst v63  }
0x53: {  	_ =	swait.ge @!p3 [sflag:s26], $0xC30  }
0x54: {  	p2 =	por p2, p1;
	[sflag:s26] =	ssyncset.done @!p3 $0x0  }
0x55: {  	[sflag:s26] =	ssyncadd.s32 @!p3 $0xFFFFF3D0;
	s26 =	simm.s32 @!p2 $0x5  }
.Ltmp5:
0x56: {  	_ =	swait.ge @!p2 [sflag:s26], $0xED0;
	(pc) =	sbr.rel .LBB2_4-.Ltmp5, $3  }
0x57: {  	[sflag:s26] =	ssyncset.done @!p2 $0x0  }
0x58: {  	[sflag:s26] =	ssyncadd.s32 @!p2 $0xFFFFF130  }
0x59: {  	[bflag:$0x0] =	sbarrier.arrive @!p1 $0xFFFF;
	_ =	sdelay $0x1  }
.LBB2_6:
0x5a: {  	_ =	sfence.sel $0x180000  }
0x5b: {  	[bflag:$0x0] =	sbarrier.arrive $0xFFFF  }
0x5c: {  	p0 =	sne.s32 s3, $0x0;
	_ =	strace $0x9000004D  }
0x5d: {  	s0 =	sadd.s32 @!p0 $0x100000, s0;
	[bflag:$0x2] =	sbarrier.arrive $0xFFFF  }
0x5e: {  	[sflag:s0] =	ssyncadd.tile.s32 @!p0 $0x1;
	_ =	shalt  }
.Lfunc_end2:
_tile_overlayer_lowered:
.L_overlay_start_2:
0x5f: {  	(tag) =	ssettag $0x2  }
0x60: {  	s0 =	rddreg [dreg:$0x0];
	s2 =	stileid.u32  }
0x61: {  	s1 =	rddreg [dreg:$0x1];
	p0 =	sne.s32 s2, $0x0  }
0x62: {  	s3 =	rddreg [dreg:$0x2];
	[bflag:$0x3] =	sbarrier.arrive $0xFFFF;
	s2 =	simm.s32 @!p0 $0x1C06  }
0x63: {  	[timem:s3], [sflag:s2] =	dma.local @!p0 [hbm:s0], s1  }
0x64: {  	s0 =	simm.s32 @!p0 $0x6  }
0x65: {  	_ =	swait.ge @!p0 [sflag:s0], s1  }
0x66: {  	s1 =	ssub.s32 @!p0 $0x0, s1;
	[sflag:s0] =	ssyncset.done @!p0 $0x0  }
0x67: {  	[sflag:s0] =	ssyncadd.s32 @!p0 s1  }
0x68: {  	[bflag:$0x3] =	sbarrier.arrive $0xFFFF  }
0x69: {  	_ =	shalt  }

// kernel: kernel.8.cloned.1.call-start
scs
__scs_entry_jumppad:
0x0: {  	(pc) =	sbr.rel $0x88, $3  }
0x1: {  	(tag) =	ssettag $0x0;
	lr =	simm.s32 $0x1  }
0x2: {  	[smem:$0x3F96] =	sst lr;
	_ =	strace $0xD0000000  }
0x3: {  	_ = 	snop  }
0x4: {  	_ = 	snop  }
0x5: {  	_ = 	snop  }
0x6: {  	_ = 	snop  }
0x7: {  	_ = 	snop  }
__scs_overlays_trampoline_lowered:
0x8: {  	[smem:$0x3FA5] =	sst s0  }
0x9: {  	[smem:$0x3FA6] =	sst s1  }
0xa: {  	[smem:$0x3FA7] =	sst s2  }
0xb: {  	[smem:$0x3FA8] =	sst s3  }
0xc: {  	[smem:$0x3FA9] =	sst s4  }
0xd: {  	[smem:$0x3FAA] =	sst s5  }
0xe: {  	[smem:$0x3FAB] =	sst s6  }
0xf: {  	[smem:$0x3FAC] =	sst s7  }
0x10: {  	[smem:$0x3FAD] =	sst s8  }
0x11: {  	[smem:$0x3FAE] =	sst s9;
	s0 =	simm.s32 @!p0 $0x0  }
0x12: {  	s1 =	sld [smem:$0x3F94];
	s0 =	simm.s32 @p0 $0x1  }
0x13: {  	[smem:$0x3FAF] =	sst s0;
	s0 =	simm.s32 @!p1 $0x0  }
0x14: {  	s2 =	sld [smem:$0x3F93];
	s0 =	simm.s32 @p1 $0x1  }
0x15: {  	[smem:$0x3FB0] =	sst s0;
	s0 =	simm.s32 @!p2 $0x0  }
0x16: {  	s3 =	sld [smem:$0x3FDB];
	s0 =	simm.s32 @p2 $0x1  }
0x17: {  	s4 =	simm.s32 $0x1BF5;
	[smem:$0x3FB2] =	sst s0  }
0x18: {  	s0 =	sld [smem:$0x3F95];
	_ =	swait.ge [sflag:s4], $0x0  }
0x19: {  	s7 =	sld [smem:$0x3F96]  }
0x1a: {  	s8 =	sadd.s32 $0xFFFFE003, lr  }
0x1b: {  	s9 =	sadd.s32 $0xFFFFFEF7, lr;
	s5 =	simm.s32 $0xFFFFFFFF;
	p2 =	slt.u32 s8, $0xFFFFF086  }
0x1c: {  	p1 =	slt.u32 s9, $0xF7A;
	s5 =	simm.s32 @!p2 $0x0  }
0x1d: {  	s5 =	simm.s32 @p1 $0x1;
	p0 =	seq.s32 s7, s2  }
0x1e: {  	s7 =	smul.u32 @!p0 $0xF7A, s2;
	p2 =	seq.s32 @!p0 s5, $0x0  }
0x1f: {  	s9 =	smul.u32 $0xF7A, s1;
	s8 =	simm.s32 @!p0 $0x1BF5;
	p2 =	por !p2, p0  }
0x20: {  	[sflag:s8] =	ssyncset.s32 @!p0 $0xFFFFF086;
	s6 =	sadd.s32 @!p0 s3, s7;
	s7 =	simm.s32 @!p0 $0x108  }
0x21: {  	s3 =	sadd.s32 s3, s9;
	s6 =	sadd.s32 @!p0 $0x88, s6;
	s7 =	simm.s32 @p2 $0x1082  }
0x22: {  	[simem:s7], [sflag:s8] =	dma.local @!p0 [hbm:s6], $0xF7A  }
0x23: {  	s9 =	sor.u32 $0xD0000000, s2;
	s6 =	simm.s32 $0x108;
	_ =	swait.ge @!p0 [sflag:s8], $0x0  }
0x24: {  	s3 =	sadd.s32 $0x88, s3;
	s6 =	simm.s32 @!p1 $0x1082;
	[sflag:s4] =	ssyncset.s32 $0xFFFFF086  }
0x25: {  	[simem:s6], [sflag:s4] =	dma.local [hbm:s3], $0xF7A  }
0x26: {  	[smem:$0x3F96] =	sst s1;
	(tag) =	ssettag s2;
	_ =	strace s9  }
0x27: {  	s1 =	sld [smem:$0x3FA6]  }
0x28: {  	s2 =	sld [smem:$0x3FA7]  }
0x29: {  	s4 =	sld [smem:$0x3FA9]  }
0x2a: {  	p0 =	seq.s32 s5, $0x0;
	s5 =	sld [smem:$0x3FAA]  }
0x2b: {  	s6 =	sld [smem:$0x3FAB]  }
0x2c: {  	s7 =	sld [smem:$0x3FAC]  }
0x2d: {  	s3 =	simm.s32 $0x108;
	s8 =	sld [smem:$0x3FAD]  }
0x2e: {  	s3 =	simm.s32 @!p0 $0x1082;
	s9 =	sld [smem:$0x3FAE]  }
0x2f: {  	lr =	sadd.s32 s0, s3;
	s0 =	sld [smem:$0x3FA5]  }
0x30: {  	s3 =	sld [smem:$0x3FA8]  }
0x31: {  	[smem:$0x3FB1] =	sst s10  }
0x32: {  	s10 =	sld [smem:$0x3FAF];
	_ =	sdelay $0x3  }
0x33: {  	p0 =	seq.s32 s10, $0x1;
	s10 =	sld [smem:$0x3FB1];
	_ =	sdelay $0x3  }
0x34: {  	[smem:$0x3FB1] =	sst s10  }
0x35: {  	s10 =	sld [smem:$0x3FB0];
	_ =	sdelay $0x3  }
0x36: {  	p1 =	seq.s32 s10, $0x1;
	s10 =	sld [smem:$0x3FB1];
	_ =	sdelay $0x3  }
0x37: {  	[smem:$0x3FB1] =	sst s10  }
0x38: {  	s10 =	sld [smem:$0x3FB2]  }
0x39: {  	_ = 	snop;
	(pc) =	sbr.ind lr, $3  }
0x3a: {  	_ = 	snop  }
0x3b: {  	_ = 	snop  }
0x3c: {  	p2 =	seq.s32 s10, $0x1;
	s10 =	sld [smem:$0x3FB1]  }
0x3d: {  	_ =	shalt  }
0x3e: {  	_ =	shalt  }
0x3f: {  	_ =	shalt  }
0x40: {  	_ =	shalt  }
0x41: {  	_ =	shalt  }
0x42: {  	_ =	shalt  }
0x43: {  	_ =	shalt  }
0x44: {  	_ =	shalt  }
0x45: {  	_ =	shalt  }
0x46: {  	_ =	shalt  }
0x47: {  	_ =	shalt  }
0x48: {  	_ =	shalt  }
0x49: {  	_ =	shalt  }
0x4a: {  	_ =	shalt  }
0x4b: {  	_ =	shalt  }
0x4c: {  	_ =	shalt  }
0x4d: {  	_ =	shalt  }
0x4e: {  	_ =	shalt  }
0x4f: {  	_ =	shalt  }
0x50: {  	_ =	shalt  }
0x51: {  	_ =	shalt  }
0x52: {  	_ =	shalt  }
0x53: {  	_ =	shalt  }
0x54: {  	_ =	shalt  }
0x55: {  	_ =	shalt  }
0x56: {  	_ =	shalt  }
0x57: {  	_ =	shalt  }
0x58: {  	_ =	shalt  }
0x59: {  	_ =	shalt  }
0x5a: {  	_ =	shalt  }
0x5b: {  	_ =	shalt  }
0x5c: {  	_ =	shalt  }
0x5d: {  	_ =	shalt  }
0x5e: {  	_ =	shalt  }
0x5f: {  	_ =	shalt  }
0x60: {  	_ =	shalt  }
0x61: {  	_ =	shalt  }
0x62: {  	_ =	shalt  }
0x63: {  	_ =	shalt  }
0x64: {  	_ =	shalt  }
0x65: {  	_ =	shalt  }
0x66: {  	_ =	shalt  }
0x67: {  	_ =	shalt  }
0x68: {  	_ =	shalt  }
0x69: {  	_ =	shalt  }
0x6a: {  	_ =	shalt  }
0x6b: {  	_ =	shalt  }
0x6c: {  	_ =	shalt  }
0x6d: {  	_ =	shalt  }
0x6e: {  	_ =	shalt  }
0x6f: {  	_ =	shalt  }
0x70: {  	_ =	shalt  }
0x71: {  	_ =	shalt  }
0x72: {  	_ =	shalt  }
0x73: {  	_ =	shalt  }
0x74: {  	_ =	shalt  }
0x75: {  	_ =	shalt  }
0x76: {  	_ =	shalt  }
0x77: {  	_ =	shalt  }
0x78: {  	_ =	shalt  }
0x79: {  	_ =	shalt  }
0x7a: {  	_ =	shalt  }
0x7b: {  	_ =	shalt  }
0x7c: {  	_ =	shalt  }
0x7d: {  	_ =	shalt  }
0x7e: {  	_ =	shalt  }
0x7f: {  	_ =	shalt  }
0x80: {  	_ =	shalt  }
0x81: {  	_ =	shalt  }
0x82: {  	_ =	shalt  }
0x83: {  	_ =	shalt  }
0x84: {  	_ =	shalt  }
0x85: {  	_ =	shalt  }
0x86: {  	_ =	shalt  }
0x87: {  	_ =	shalt  }
.Lfunc_end0:
.L_simem_size_0:
called_computation_lowered:
.L_overlay_start_0:
0x88: {  	s2 =	sld [smem:$0x3FD9]  }
0x89: {  	s3 =	sld [smem:$0x3FFE];
	_ =	sdelay $0x1  }
0x8a: {  	s1 =	srdreg.scid  }
0x8b: {  	s0 =	sand.u32 $0x1, s1  }
0x8c: {  	s16 =	sshll.u32 s0, $0xA;
	s2 =	sadd.s32 s3, s2  }
0x8d: {  	s2 =	sadd.s32 s2, s16  }
0x8e: {  	[smem:$0x3FBD] =	sst s2  }
0x8f: {  	_ = 	snop  }
0x90: {  	(tm) =	ssettm $0x1  }
0x91: {  	s17 =	sld [smem:$0x3FFB];
	_ =	sdelay $0x3  }
0x92: {  	_ =	strace s17  }
0x93: {  	s2 =	sld [smem:$0x3FFC];
	_ =	sdelay $0x3  }
0x94: {  	_ =	strace s2  }
0x95: {  	s2 =	sld [smem:$0x3FFD];
	_ =	sdelay $0x3  }
0x96: {  	_ =	strace s2  }
0x97: {  	_ =	strace $0x8FFFFFFF  }
0x98: {  	s18 =	sld [smem:$0x3FDB];
	_ =	sdelay $0x1  }
0x99: {  	s19 =	simm.s32 $_scs_section_size  }
0x9a: {  	s4 =	simm.s32 $_size__tile_overlayer_lowered;
	s5 =	simm.s32 $_tile_overlayer_lowered  }
0x9b: {  	s22 =	simm.s32 $0x1BFF;
	s21 =	sshll.u32 s5, $0x1;
	s2 =	sadd.s32 s19, s18  }
0x9c: {  	s6 =	simm.s32 $0x0;
	s20 =	sshll.u32 s4, $0x1;
	s4 =	sadd.s32 s21, s2  }
0x9d: {  	[timem:s6], [sflag:s22] =	dma.local [hbm:s4], s20  }
0x9e: {  	_ =	swait.ge [sflag:s22], s20  }
0x9f: {  	s3 =	ssub.s32 $0x0, s20;
	[sflag:s22] =	ssyncset.done $0x0  }
0xa0: {  	[sflag:s22] =	ssyncadd.s32 s3;
	_ =	sdelay $0x1  }
0xa1: {  	s23 =	simm.s32 $0x1B8B  }
0xa2: {  	_ =	swait.ge [sflag:s23], $0x1  }
0xa3: {  	[sflag:s23] =	ssyncset.done $0x0  }
0xa4: {  	s25 =	simm.s32 $0x1B8E;
	s24 =	sld [smem:$0x3FFE];
	[sflag:s23] =	ssyncadd.s32 $0xFFFFFFFF  }
0xa5: {  	s26 =	simm.s32 $execute0_lowered;
	[smem:$0x3FD2] =	sst s25  }
0xa6: {  	s4 =	sshll.u32 s26, $0x1;
	_ =	strace $0x80000046;
	[dreg:$0x1] =	wrdreg $0xFFFFFFFF  }
0xa7: {  	s28 =	simm.s32 $_size_execute0_lowered;
	s2 =	sadd.s32 s2, s4;
	[dreg:$0x0] =	wrdreg $0x0  }
0xa8: {  	s4 =	sshll.u32 s28, $0x1;
	[dreg:$0x2] =	wrdreg s2  }
0xa9: {  	[dreg:$0x3] =	wrdreg s4  }
0xaa: {  	[dreg:$0x4] =	wrdreg $0xC0  }
0xab: {  	_ =	task [dreg:s6], $0x5FFFF  }
0xac: {  	[dreg:$0x1] =	wrdreg $0xFFFFFFFF  }
0xad: {  	[dreg:$0x0] =	wrdreg $0x60  }
0xae: {  	[dreg:$0x2] =	wrdreg s24  }
0xaf: {  	[dreg:$0x3] =	wrdreg $0x52000  }
0xb0: {  	[dreg:$0x4] =	wrdreg $0x9  }
0xb1: {  	_ =	task.clear_ibuf [dreg:s6], $0x5FFFF;
	_ =	strace $0x90000046  }
0xb2: {  	s29 =	simm.s32 $0x9;
	_ =	strace $0x80000048  }
0xb3: {  	_ =	swait.ge [sflag:s29], $0x1  }
0xb4: {  	[sflag:s29] =	ssyncadd.s32 $0xFFFFFFFF  }
0xb5: {  	_ =	strace $0x90000048  }
0xb6: {  	_ =	sfence  }
0xb7: {  	s30 =	sld [smem:$0x0];
	_ =	sdelay $0x2  }
0xb8: {  	s31 =	sshll.u32 s1, $0xD;
	s1 =	sshrl.u32 s1, $0x2  }
0xb9: {  	s3 =	sand.u32 $0x4000, s31;
	s1 =	sadd.s32 s1, s30  }
0xba: {  	s0 =	sor.u32 s3, s0;
	s1 =	sshll.u32 s1, $0x11  }
0xbb: {  	s0 =	sor.u32 s1, s0  }
0xbc: {  	s0 =	sadd.s32 $0x8F2B, s0  }
0xbd: {  	[sflag:s0] =	ssyncadd.remote.s32 $0x1  }
0xbe: {  	_ =	sfence.sel $0xFFFF  }
0xbf: {  	[dreg:$0x0] =	wrdreg $0xFFFFFFFF;
	(pc) =	sbr.abs _section_cstart, $3  }
0xc0: {  	[dreg:$0x1] =	wrdreg $0xFFFFFFFF  }
0xc1: {  	_ =	task.clear_ibuf [dreg:s6], $0x2FFFF;
	_ =	strace $0x9FFFFFFF  }
0xc2: {  	(tm) =	ssettm $0x7FFFFFFF  }
0xc3: {  	_ =	shalt  }
tec
execute0_lowered:
.L_overlay_start_1:
0x0: {  	(tag) =	ssettag $0x1  }
0x1: {  	s6 =	rddreg [dreg:$0x0]  }
0x2: {  	s1 =	rddreg [dreg:$0x1]  }
0x3: {  	s0 =	rddreg [dreg:$0x2];
	s2 =	simm.s32 $0x0  }
0x4: {  	s5 =	srdreg.scid;
	s3 =	stileid.u32;
	s17 =	simm.s32 $0x2  }
0x5: {  	s18 =	simm.s32 $0x80;
	s19 =	simm.s32 $0x180;
	s20 =	simm.s32 $0x2A00  }
0x6: {  	s22 =	simm.s32 $0x6;
	s23 =	simm.s32 $0x0;
	[smem:$0x7FF] =	sst s2  }
0x7: {  	s4 =	sadd.s32 $0x4000, s6;
	s12 =	sadd.s32 $0x1C800, s6;
	s8 =	smul.u32 $0x31600, s3  }
0x8: {  	s7 =	sand.u32 $0x1, s5;
	s11 =	sadd.s32 $0x26800, s6;
	s14 =	smul.u32 $0x18B00, s3  }
0x9: {  	s5 =	sadd.s32 $0x2600, s6;
	s15 =	sadd.s32 $0x30800, s6;
	s29 =	smul.u32 $0x2800, s3  }
0xa: {  	p0 =	seq.s32 s3, $0xF;
	_ =	strace $0x80000047;
	s9 =	ssub.s32 $0x2, s7  }
0xb: {  	s10 =	smul.u32 $0x186A00, s7;
	s13 =	sshrl.u32 s9, $0x1;
	s26 =	sshrl.u32 s8, $0x2  }
0xc: {  	s7 =	smul.u32 $0x28000, s7;
	s9 =	ssub.s32 s9, s13;
	s16 =	sadd.s32 s26, s1  }
0xd: {  	s28 =	sadd.s32 s14, s10;
	s13 =	sadd.s32 $0xB9280, s1;
	s14 =	sshrl.u32 s14, $0x1  }
0xe: {  	s10 =	sshrl.u32 s10, $0x4;
	s8 =	sadd.s32 s29, s7;
	s6 =	sshrl.u32 s28, $0x4  }
0xf: {  	s21 =	sadd.s32 s14, s1;
	s10 =	sadd.s32 s15, s10;
	s30 =	sshrl.u32 s8, $0x3  }
.Ltmp0:
0x10: {  	s31 =	sor.u32 $0x80, s8;
	s8 =	smax.u32 s9, $0x1;
	(pc) =	sbr.rel .LBB2_1-.Ltmp0, $4  }
0x11: {  	s13 =	sshrl.u32 @p0 s13, $0x3;
	s16 =	sshrl.u32 @!p0 s16, $0x3;
	s7 =	sadd.s32 $0x17250, s10  }
0x12: {  	s9 =	sadd.s32 s30, s11;
	s14 =	sshrl.u32 s31, $0x3;
	s10 =	sadd.s32 s30, s12  }
0x13: {  	s11 =	sadd.s32 s14, s11;
	s12 =	sadd.s32 s14, s12;
	s14 =	sshll.u32 @!p0 s3, $0x6  }
0x14: {  	s6 =	sadd.s32 s15, s6;
	s21 =	sshrl.u32 @!p0 s21, $0x3;
	s15 =	sor.u32 @!p0 $0x1C05, s14  }
.LBB2_5:
0x15: {  	[bflag:$0x0] =	sbarrier.arrive $0xFFFF;
	s24 =	simm.s32 @p0 $0x1FC6  }
0x16: {  	[hbm:s7], [sflag:s24] =	dma.local @p0 [spmem:s13], $0x1450  }
0x17: {  	s24 =	simm.s32 @p0 $0x6  }
0x18: {  	_ =	swait.ge @p0 [sflag:s24], $0x1450  }
0x19: {  	s23 =	sadd.s32 $0x1, s23;
	[sflag:s24] =	ssyncset.done @p0 $0x0  }
0x1a: {  	p1 =	sne.s32 s23, s8;
	[sflag:s24] =	ssyncadd.s32 @p0 $0xFFFFEBB0;
	s24 =	sor.u32 @!p0 $0x1C06, s14  }
0x1b: {  	[hbm:s6], [sflag:s24] =	dma.local @!p0 [spmem:s21], $0x18B0  }
.Ltmp1:
0x1c: {  	_ = 	snop;
	(pc) =	sbr.rel @!p1 .LBB2_6-.Ltmp1, $4  }
0x1d: {  	s24 =	simm.s32 @!p0 $0x6  }
0x1e: {  	_ =	swait.ge @!p0 [sflag:s24], $0x18B0  }
0x1f: {  	[sflag:s24] =	ssyncset.done @!p0 $0x0  }
0x20: {  	[sflag:s24] =	ssyncadd.s32 @!p0 $0xFFFFE750  }
.LBB2_1:
.Ltmp2:
0x21: {  	(pc) =	sbr.rel .LBB2_2-.Ltmp2, $4  }
0x22: {  	s24 =	simm.s32 @p0 $0x1FC5  }
0x23: {  	[spmem:s13], [sflag:s24] =	dma.local @p0 [hbm:s5], $0x1450  }
0x24: {  	s25 =	simm.s32 $0x0;
	s24 =	simm.s32 $0x1  }
0x25: {  	[spmem:s16], [sflag:s15] =	dma.local @!p0 [hbm:s5], $0x18B0  }
.LBB2_4:
0x26: {  	p1 =	sgt.u32 s24, $0x50  }
0x27: {  	s26 =	simm.s32 @!p1 $0x1  }
0x28: {  	_ =	swait.ge @!p1 [sflag:s26], $0x2800  }
0x29: {  	s25 =	sadd.s32 $0x20, s25;
	s28 =	simm.s32 @!p1 $0x100;
	[sflag:s26] =	ssyncset.done @!p1 $0x0  }
0x2a: {  	s29 =	simm.s32 @!p1 $0x200;
	[sflag:s26] =	ssyncadd.s32 @!p1 $0xFFFFD800;
	s26 =	simm.s32 @!p1 $0x80  }
0x2b: {  	[spmem:s1] =	stream.indirect.scatter.add.bf16 @!p1 [tilespmem:s29], [sflag:$0x3], $0x50, s28, s26, $0xb8;
	[tilespmem:$0x11A50] =	vst v63  }
0x2c: {  	p1 =	sne.s32 s25, $0x520  }
.Ltmp3:
0x2d: {  	_ = 	snop;
	(pc) =	sbr.rel @!p1 .LBB2_5-.Ltmp3, $2  }
0x2e: {  	_ =	sdelay $0x2  }
0x2f: {  	s24 =	sadd.s32 $0x2, s24  }
.LBB2_2:
0x30: {  	p1 =	seq.s32 s25, $0x0  }
0x31: {  	s26 =	simm.s32 @!p1 $0x3  }
0x32: {  	p2 =	seq.s32 @!p1 s25, $0x500;
	_ =	swait.ge @!p1 [sflag:s26], $0x2800  }
0x33: {  	p2 =	por p1, !p2;
	[sflag:s26] =	ssyncset.done @!p1 $0x0  }
0x34: {  	s28 =	simm.s32 @p2 $0x0;
	[sflag:s26] =	ssyncadd.s32 @!p1 $0xFFFFD800;
	s26 =	sadd.s32 @p2 s25, s10  }
0x35: {  	[tilespmem:s28], [sflag:$0x6] =	stream.linear.gather @p2 [hbm4b:s26+s28], $0x80, $0x38;
	[tilespmem:$0x11A50] =	vst v63  }
0x36: {  	s26 =	simm.s32 @p2 $0x6  }
0x37: {  	_ =	swait.ge @p2 [sflag:s26], $0x80  }
0x38: {  	[sflag:s26] =	ssyncset.done @p2 $0x0  }
0x39: {  	s29 =	sadd.s32 @p2 s25, s9;
	s30 =	simm.s32 @p2 $0x100;
	[sflag:s26] =	ssyncadd.s32 @p2 $0xFFFFFF80  }
0x3a: {  	[tilespmem:s30], [sflag:$0x6] =	stream.linear.gather @p2 [hbm4b:s29+s28], $0x80, $0x38;
	[tilespmem:$0x11A50] =	vst v63  }
0x3b: {  	_ =	swait.ge @p2 [sflag:s26], $0x80  }
0x3c: {  	[sflag:s26] =	ssyncset.done @p2 $0x0  }
0x3d: {  	s29 =	simm.s32 @p2 $0x200;
	[sflag:s26] =	ssyncadd.s32 @p2 $0xFFFFFF80;
	s26 =	simm.s32 @p2 $0x80  }
0x3e: {  	[tilespmem:s29], [sflag:$0x1] =	stream.indirect.gather @p2 [hbm4b:s4+s26], $0x50, s28, s26, $0xb8;
	[tilespmem:$0x11A50] =	vst v63  }
0x3f: {  	s26 =	sadd.s32 @p2 $0xFFFFFFFD, s24  }
0x40: {  	p3 =	sgt.u32 @p2 s26, $0x4F  }
0x41: {  	p3 =	por !p2, !p3  }
0x42: {  	_ =	swait.ge @p3 [sflag:s17], $0x2800  }
0x43: {  	[sflag:s17] =	ssyncset.done @p3 $0x0  }
.Ltmp4:
0x44: {  	s26 =	simm.s32 @!p1 $0x4;
	[sflag:s17] =	ssyncadd.s32 @p3 $0xFFFFD800;
	(pc) =	sbr.rel @!p2 .LBB2_4-.Ltmp4, $4  }
0x45: {  	[spmem:s1] =	stream.indirect.scatter.add.bf16 @p3 [tilespmem:s20], [sflag:$0x4], $0x50, s19, s18, $0xb8;
	[tilespmem:$0x11A50] =	vst v63  }
0x46: {  	_ =	swait.ge @!p1 [sflag:s26], $0x2800  }
0x47: {  	[sflag:s26] =	ssyncset.done @!p1 $0x0  }
0x48: {  	[sflag:s26] =	ssyncadd.s32 @!p1 $0xFFFFD800  }
0x49: {  	s26 =	sadd.s32 s25, s12  }
0x4a: {  	[tilespmem:s18], [sflag:$0x6] =	stream.linear.gather [hbm4b:s26+s2], $0x80, $0x38;
	[tilespmem:$0x11A50] =	vst v63  }
0x4b: {  	_ =	swait.ge [sflag:s22], $0x80  }
0x4c: {  	[sflag:s22] =	ssyncset.done $0x0  }
0x4d: {  	s31 =	sadd.s32 s25, s11;
	p1 =	sne.s32 s25, $0x0;
	[sflag:s22] =	ssyncadd.s32 $0xFFFFFF80  }
0x4e: {  	[tilespmem:s19], [sflag:$0x6] =	stream.linear.gather [hbm4b:s31+s2], $0x80, $0x38;
	[tilespmem:$0x11A50] =	vst v63  }
0x4f: {  	p2 =	seq.s32 @!p1 s3, $0xF;
	_ =	swait.ge [sflag:s22], $0x80  }
0x50: {  	p3 =	por !p2, p1;
	[sflag:s22] =	ssyncset.done $0x0  }
0x51: {  	s26 =	simm.s32 @!p3 $0x5;
	[sflag:s22] =	ssyncadd.s32 $0xFFFFFF80  }
0x52: {  	[tilespmem:s20], [sflag:$0x2] =	stream.indirect.gather [hbm4b:s4+s18], $0x50, s18, s18, $0xb8;
	[tilespmem:$0x11A50] =	vst v63  }
0x53: {  	_ =	swait.ge @!p3 [sflag:s26], $0x1450  }
0x54: {  	p2 =	por p2, p1;
	[sflag:s26] =	ssyncset.done @!p3 $0x0  }
0x55: {  	[sflag:s26] =	ssyncadd.s32 @!p3 $0xFFFFEBB0;
	s26 =	simm.s32 @!p2 $0x5  }
.Ltmp5:
0x56: {  	_ =	swait.ge @!p2 [sflag:s26], $0x18B0;
	(pc) =	sbr.rel .LBB2_4-.Ltmp5, $3  }
0x57: {  	[sflag:s26] =	ssyncset.done @!p2 $0x0  }
0x58: {  	[sflag:s26] =	ssyncadd.s32 @!p2 $0xFFFFE750  }
0x59: {  	[bflag:$0x0] =	sbarrier.arrive @!p1 $0xFFFF;
	_ =	sdelay $0x1  }
.LBB2_6:
0x5a: {  	_ =	sfence.sel $0x180000  }
0x5b: {  	[bflag:$0x0] =	sbarrier.arrive $0xFFFF  }
0x5c: {  	p0 =	sne.s32 s3, $0x0;
	_ =	strace $0x90000047  }
0x5d: {  	s0 =	sadd.s32 @!p0 $0x100000, s0;
	[bflag:$0x2] =	sbarrier.arrive $0xFFFF  }
0x5e: {  	[sflag:s0] =	ssyncadd.tile.s32 @!p0 $0x1;
	_ =	shalt  }
.Lfunc_end2:
_tile_overlayer_lowered:
.L_overlay_start_2:
0x5f: {  	(tag) =	ssettag $0x2  }
0x60: {  	s0 =	rddreg [dreg:$0x0];
	s2 =	stileid.u32  }
0x61: {  	s1 =	rddreg [dreg:$0x1];
	p0 =	sne.s32 s2, $0x0  }
0x62: {  	s3 =	rddreg [dreg:$0x2];
	[bflag:$0x3] =	sbarrier.arrive $0xFFFF;
	s2 =	simm.s32 @!p0 $0x1C06  }
0x63: {  	[timem:s3], [sflag:s2] =	dma.local @!p0 [hbm:s0], s1  }
0x64: {  	s0 =	simm.s32 @!p0 $0x6  }
0x65: {  	_ =	swait.ge @!p0 [sflag:s0], s1  }
0x66: {  	s1 =	ssub.s32 @!p0 $0x0, s1;
	[sflag:s0] =	ssyncset.done @!p0 $0x0  }
0x67: {  	[sflag:s0] =	ssyncadd.s32 @!p0 s1  }
0x68: {  	[bflag:$0x3] =	sbarrier.arrive $0xFFFF  }
0x69: {  	_ =	shalt  }

</sc_bundles>
